<compile_context>
chip_gen: v7x
topology: tpu7x:2x2x1
jax: 0.10.2.dev20260603
libtpu: 0.0.44.dev20260713+nightly
codegen_flags: <defaults>
</compile_context>

<pallas_src>
import functools

import jax
import jax.numpy as jnp
from jax import lax
from jax.experimental import pallas as pl
from jax.experimental.pallas import tpu as pltpu
from jax.experimental.pallas import tpu_sc as plsc

N = 10000
E = 320000
D = 128
DE = 16
H = 128

NC = 2
NS = 16
NW = NC * NS

CHUNK = 128
ROWS = E // CHUNK
RPW = 80
ROWSP = NW * RPW
ACC_W = 128
NPS = N // NS

@functools.lru_cache(maxsize=1)
def _mesh():
    return plsc.VectorSubcoreMesh(core_axis_name="c", subcore_axis_name="s",
                                  num_cores=NC, num_subcores=NS)


def _proj_body(x_ref, w1r_ref, w1c_ref, be1_ref, pr_ref, pc_ref):
    xb = x_ref[...]
    pr_ref[...] = jnp.dot(xb, w1r_ref[...], preferred_element_type=jnp.float32) + be1_ref[...]
    pc_ref[...] = jnp.dot(xb, w1c_ref[...], preferred_element_type=jnp.float32)


def _node_proj(x, w1r, w1c, be1):
    nb = 10
    bn = N // nb
    return pl.pallas_call(
        _proj_body,
        grid=(nb,),
        in_specs=[
            pl.BlockSpec((bn, D), lambda i: (i, 0)),
            pl.BlockSpec((D, H), lambda i: (0, 0)),
            pl.BlockSpec((D, H), lambda i: (0, 0)),
            pl.BlockSpec((1, H), lambda i: (0, 0)),
        ],
        out_specs=[
            pl.BlockSpec((bn, H), lambda i: (i, 0)),
            pl.BlockSpec((bn, H), lambda i: (i, 0)),
        ],
        out_shape=[
            jax.ShapeDtypeStruct((N, H), jnp.float32),
            jax.ShapeDtypeStruct((N, H), jnp.float32),
        ],
    )(x, w1r, w1c, be1)


def _gather_add_kernel(pr_hbm, pc_hbm, row2_hbm, col2_hbm, s_hbm,
                       idxr, idxc, br0, br1, bc0, bc1,
                       sr0, sr1, sc0, sc1, sw0, sw1):
    c = lax.axis_index("c")
    s = lax.axis_index("s")
    wid = s * NC + c
    row0 = wid * RPW

    brs, bcs = (br0, br1), (bc0, bc1)
    srs, scs, sws = (sr0, sr1), (sc0, sc1), (sw0, sw1)

    pltpu.sync_copy(row2_hbm.at[pl.ds(row0, RPW)], idxr)
    pltpu.sync_copy(col2_hbm.at[pl.ds(row0, RPW)], idxc)

    def valid(k):
        return row0 + k < ROWS

    def fire(k, b):
        @pl.when(valid(k))
        def _():
            pltpu.async_copy(pr_hbm.at[idxr.at[k]], brs[b], srs[b])
            pltpu.async_copy(pc_hbm.at[idxc.at[k]], bcs[b], scs[b])

    def addw(k, b):
        @pl.when(valid(k))
        def _():
            pltpu.make_async_copy(pr_hbm.at[idxr.at[k]], brs[b], srs[b]).wait()
            pltpu.make_async_copy(pc_hbm.at[idxc.at[k]], bcs[b], scs[b]).wait()

            def add_row(j, _):
                for i in range(H // 16):
                    sl = pl.ds(i * 16, 16)
                    brs[b][j, sl] = brs[b][j, sl] + bcs[b][j, sl]
                return 0

            lax.fori_loop(0, CHUNK, add_row, 0)
            base = (row0 + k) * CHUNK
            pltpu.async_copy(brs[b], s_hbm.at[pl.ds(base, CHUNK)], sws[b])

    def wait_w(k, b):
        @pl.when(valid(k))
        def _():
            base = (row0 + k) * CHUNK
            pltpu.make_async_copy(brs[b], s_hbm.at[pl.ds(base, CHUNK)], sws[b]).wait()

    fire(0, 0)

    def outer(kk, _):
        for b in (0, 1):
            k = 2 * kk + b

            @pl.when(k + 1 < RPW)
            def _():
                pl.when(k >= 1)(lambda: wait_w(k - 1, 1 - b))
                fire(k + 1, 1 - b)

            addw(k, b)
        return 0

    lax.fori_loop(0, RPW // 2, outer, 0)
    wait_w(RPW - 2, 0)
    wait_w(RPW - 1, 1)


def _gather_add(pr, pc, row2, col2):
    return pl.kernel(
        _gather_add_kernel,
        out_type=jax.ShapeDtypeStruct((E, H), jnp.float32),
        mesh=_mesh(),
        scratch_types=[
            pltpu.VMEM((RPW, CHUNK), jnp.int32),
            pltpu.VMEM((RPW, CHUNK), jnp.int32),
            pltpu.VMEM((CHUNK, H), jnp.float32),
            pltpu.VMEM((CHUNK, H), jnp.float32),
            pltpu.VMEM((CHUNK, H), jnp.float32),
            pltpu.VMEM((CHUNK, H), jnp.float32),
            pltpu.SemaphoreType.DMA,
            pltpu.SemaphoreType.DMA,
            pltpu.SemaphoreType.DMA,
            pltpu.SemaphoreType.DMA,
            pltpu.SemaphoreType.DMA,
            pltpu.SemaphoreType.DMA,
        ],
    )(pr, pc, row2, col2)


def _edge_mlp_body(s_ref, ea_ref, w1a_ref, w2_ref, be2_ref, out_ref):
    ea = ea_ref[...]
    h1 = jax.nn.silu(s_ref[...] + jnp.dot(ea, w1a_ref[...], preferred_element_type=jnp.float32))
    h2 = jax.nn.silu(jnp.dot(h1, w2_ref[...], preferred_element_type=jnp.float32) + be2_ref[...])
    out_ref[...] = h2 + ea


def _edge_mlp(s, ea, w1a, w2, be2):
    be = 512
    nb = E // be
    return pl.pallas_call(
        _edge_mlp_body,
        grid=(nb,),
        in_specs=[
            pl.BlockSpec((be, H), lambda i: (i, 0)),
            pl.BlockSpec((be, DE), lambda i: (i, 0)),
            pl.BlockSpec((DE, H), lambda i: (0, 0)),
            pl.BlockSpec((H, DE), lambda i: (0, 0)),
            pl.BlockSpec((1, DE), lambda i: (0, 0)),
        ],
        out_specs=pl.BlockSpec((be, DE), lambda i: (i, 0)),
        out_shape=jax.ShapeDtypeStruct((E, DE), jnp.float32),
    )(s, ea, w1a, w2, be2)


def _scatter_kernel(eof_hbm, col2_hbm, zeros_hbm, tmpl_hbm, out_hbm,
                    idxc, f0, f1, m0, m1, acc, sf0, sf1, ss0, ss1):
    c = lax.axis_index("c")
    s = lax.axis_index("s")
    wid = s * NC + c
    row0 = wid * RPW

    fbufs, mbufs = (f0, f1), (m0, m1)
    sfs, sss = (sf0, sf1), (ss0, ss1)

    pltpu.sync_copy(zeros_hbm, acc.at[pl.ds(s * NPS, NPS)])

    pltpu.sync_copy(tmpl_hbm, m0)
    pltpu.sync_copy(tmpl_hbm, m1)
    pltpu.sync_copy(col2_hbm.at[pl.ds(row0, RPW)], idxc)

    plsc.subcore_barrier()

    def valid(k):
        return row0 + k < ROWS

    def fire(k, b):
        @pl.when(valid(k))
        def _():
            base = (row0 + k) * CHUNK * DE
            pltpu.async_copy(eof_hbm.at[pl.ds(base, CHUNK * DE)], fbufs[b], sfs[b])

    def proc(k, b):
        @pl.when(valid(k))
        def _():
            base = (row0 + k) * CHUNK * DE
            pltpu.make_async_copy(eof_hbm.at[pl.ds(base, CHUNK * DE)], fbufs[b], sfs[b]).wait()

            def mv(j, _):
                mbufs[b][j, pl.ds(0, DE)] = fbufs[b][pl.ds(j * DE, DE)]
                return 0

            lax.fori_loop(0, CHUNK, mv, 0)
            pltpu.async_copy(mbufs[b], acc.at[idxc.at[k]], sss[b], add=True)

    def wait_s(k, b):
        @pl.when(valid(k))
        def _():
            pltpu.make_async_copy(mbufs[b], acc.at[idxc.at[k]], sss[b]).wait()

    fire(0, 0)

    def outer(kk, _):
        for b in (0, 1):
            k = 2 * kk + b

            @pl.when(k + 1 < RPW)
            def _():
                fire(k + 1, 1 - b)

            pl.when(k >= 2)(lambda: wait_s(k - 2, b))
            proc(k, b)
        return 0

    lax.fori_loop(0, RPW // 2, outer, 0)
    wait_s(RPW - 2, 0)
    wait_s(RPW - 1, 1)

    plsc.subcore_barrier()

    pltpu.sync_copy(acc.at[pl.ds(s * NPS, NPS)], out_hbm.at[c, s])


def _scatter_mean_sum(eo, col2):
    zeros = jnp.zeros((NPS, ACC_W), jnp.float32)
    tmpl = jnp.zeros((CHUNK, ACC_W), jnp.float32).at[:, DE].set(1.0)
    return pl.kernel(
        _scatter_kernel,
        out_type=jax.ShapeDtypeStruct((NC, NS, NPS, ACC_W), jnp.float32),
        mesh=_mesh(),
        scratch_types=[
            pltpu.VMEM((RPW, CHUNK), jnp.int32),
            pltpu.VMEM((CHUNK * DE,), jnp.float32),
            pltpu.VMEM((CHUNK * DE,), jnp.float32),
            pltpu.VMEM((CHUNK, ACC_W), jnp.float32),
            pltpu.VMEM((CHUNK, ACC_W), jnp.float32),
            pltpu.VMEM_SHARED((N, ACC_W), jnp.float32),
            pltpu.SemaphoreType.DMA,
            pltpu.SemaphoreType.DMA,
            pltpu.SemaphoreType.DMA,
            pltpu.SemaphoreType.DMA,
        ],
    )(eo.reshape(E * DE), col2, zeros, tmpl)


def _node_mlp_body(p0_ref, p1_ref, x_ref, wn1a_ref, wn1b_ref, bn1_ref,
                   wn2_ref, bn2_ref, out_ref):
    ps = p0_ref[...] + p1_ref[...]
    cnt = jnp.maximum(ps[:, DE:DE + 1], 1.0)
    aggr = ps[:, :DE] / cnt
    xb = x_ref[...]
    g1 = jax.nn.silu(
        jnp.dot(aggr, wn1a_ref[...], preferred_element_type=jnp.float32)
        + jnp.dot(xb, wn1b_ref[...], preferred_element_type=jnp.float32)
        + bn1_ref[...])
    g2 = jax.nn.silu(jnp.dot(g1, wn2_ref[...], preferred_element_type=jnp.float32) + bn2_ref[...])
    out_ref[...] = g2 + xb


def _node_mlp(p0, p1, x, wn1a, wn1b, bn1, wn2, bn2):
    nb = 10
    bn = N // nb
    return pl.pallas_call(
        _node_mlp_body,
        grid=(nb,),
        in_specs=[
            pl.BlockSpec((bn, ACC_W), lambda i: (i, 0)),
            pl.BlockSpec((bn, ACC_W), lambda i: (i, 0)),
            pl.BlockSpec((bn, D), lambda i: (i, 0)),
            pl.BlockSpec((DE, H), lambda i: (0, 0)),
            pl.BlockSpec((D, H), lambda i: (0, 0)),
            pl.BlockSpec((1, H), lambda i: (0, 0)),
            pl.BlockSpec((H, D), lambda i: (0, 0)),
            pl.BlockSpec((1, D), lambda i: (0, 0)),
        ],
        out_specs=pl.BlockSpec((bn, D), lambda i: (i, 0)),
        out_shape=jax.ShapeDtypeStruct((N, D), jnp.float32),
    )(p0, p1, x, wn1a, wn1b, bn1, wn2, bn2)


@jax.jit
def kernel(x, edge_index, edge_attr, We1, be1, We2, be2, Wn1, bn1, Wn2, bn2):
    pad = ((0, ROWSP - ROWS), (0, 0))
    row2 = jnp.pad(edge_index[0].reshape(ROWS, CHUNK), pad)
    col2 = jnp.pad(edge_index[1].reshape(ROWS, CHUNK), pad)

    w1a = We1[:DE]
    w1r = We1[DE:DE + D]
    w1c = We1[DE + D:]

    pr, pc = _node_proj(x, w1r, w1c, be1.reshape(1, H))
    s = _gather_add(pr, pc, row2, col2)
    edge_out = _edge_mlp(s, edge_attr, w1a, We2, be2.reshape(1, DE))
    partials = _scatter_mean_sum(edge_out, col2).reshape(NC, N, ACC_W)
    x_out = _node_mlp(partials[0], partials[1], x,
                      Wn1[:DE], Wn1[DE:], bn1.reshape(1, H),
                      Wn2, bn2.reshape(1, D))
    return (x_out, edge_out)

# --- scband reference (transcript-rebuilt; emitter-appended) ---
"""Pipeline reference for scband-gnblock-16733192585484 (READ-ONLY COPY).

The authoritative reference and input builder live on the scoring server;
editing this copy changes nothing except your own understanding.
"""

import jax, jax.numpy as jnp
import numpy as np

N = 10000
E = 320000
D = 128
DE = 16
H = 128


def _lin_init(key, fan_in, fan_out):
    k1, k2 = jax.random.split(key)
    scale = 1.0 / np.sqrt(fan_in)
    W = jax.random.uniform(k1, (fan_in, fan_out), minval=-scale, maxval=scale, dtype=jnp.float32)
    b = jax.random.uniform(k2, (fan_out,), minval=-scale, maxval=scale, dtype=jnp.float32)
    return W, b


def setup_inputs(seed: int = 0) -> dict:
    key = jax.random.key(seed)
    ks = jax.random.split(key, 8)
    x = jax.random.normal(ks[0], (N, D), dtype=jnp.float32)
    edge_index = jax.random.randint(ks[1], (2, E), 0, N, dtype=jnp.int32)
    edge_attr = jax.random.normal(ks[2], (E, DE), dtype=jnp.float32)
    # edge_mlp: (DE + 2*D) -> H -> DE, act silu, plain_last=False
    We1, be1 = _lin_init(ks[3], DE + 2 * D, H)
    We2, be2 = _lin_init(ks[4], H, DE)
    # node_mlp: (DE + D) -> H -> D, act silu, plain_last=False
    Wn1, bn1 = _lin_init(ks[5], DE + D, H)
    Wn2, bn2 = _lin_init(ks[6], H, D)
    return {
        "x": x,
        "edge_index": edge_index,
        "edge_attr": edge_attr,
        "We1": We1, "be1": be1, "We2": We2, "be2": be2,
        "Wn1": Wn1, "bn1": bn1, "Wn2": Wn2, "bn2": bn2,
    }


def reference(x, edge_index, edge_attr, We1, be1, We2, be2, Wn1, bn1, Wn2, bn2):
    row = edge_index[0]
    col = edge_index[1]
    # edge update: edge_mlp(cat(edge_attr, x[row], x[col])) + edge_attr
    e_in = jnp.concatenate([edge_attr, jnp.take(x, row, axis=0), jnp.take(x, col, axis=0)], axis=-1)
    h = jax.nn.silu(e_in @ We1 + be1)
    h = jax.nn.silu(h @ We2 + be2)
    edge_out = h + edge_attr
    # mean aggregation of edges into destination nodes (col), dim_size=N
    seg_sum = jax.ops.segment_sum(edge_out, col, num_segments=N)
    counts = jax.ops.segment_sum(jnp.ones((E, 1), dtype=jnp.float32), col, num_segments=N)
    aggr = seg_sum / jnp.clip(counts, 1.0, None)
    # node update: node_mlp(cat(aggr_edges, x)) + x
    n_in = jnp.concatenate([aggr, x], axis=-1)
    g = jax.nn.silu(n_in @ Wn1 + bn1)
    g = jax.nn.silu(g @ Wn2 + bn2)
    x_out = g + x
    return (x_out, edge_out)

if __name__ == "__main__":
    import jax
    _d = setup_inputs()
    print(jax.jit(kernel)(*tuple(_d.values())))

</pallas_src>

<mosaic_0001>
#map = affine_map<(d0, d1) -> (0, 0)>
module attributes {stable_mosaic.version = 14 : i64} {
  func.func @_gather_add_kernel(%arg0: i32, %arg1: i32, %arg2: memref<10000x128xf32, #tpu.memory_space<hbm>>, %arg3: memref<10000x128xf32, #tpu.memory_space<hbm>>, %arg4: memref<2560x128xi32, #tpu.memory_space<hbm>>, %arg5: memref<2560x128xi32, #tpu.memory_space<hbm>>, %arg6: memref<320000x128xf32, #tpu.memory_space<hbm>>, %arg7: memref<80x128xi32, #tpu.memory_space<vmem>>, %arg8: memref<80x128xi32, #tpu.memory_space<vmem>>, %arg9: memref<128x128xf32, #tpu.memory_space<vmem>>, %arg10: memref<128x128xf32, #tpu.memory_space<vmem>>, %arg11: memref<128x128xf32, #tpu.memory_space<vmem>>, %arg12: memref<128x128xf32, #tpu.memory_space<vmem>>, %arg13: memref<!tpu.dma_semaphore, #tpu.memory_space<semaphore_mem>>, %arg14: memref<!tpu.dma_semaphore, #tpu.memory_space<semaphore_mem>>, %arg15: memref<!tpu.dma_semaphore, #tpu.memory_space<semaphore_mem>>, %arg16: memref<!tpu.dma_semaphore, #tpu.memory_space<semaphore_mem>>, %arg17: memref<!tpu.dma_semaphore, #tpu.memory_space<semaphore_mem>>, %arg18: memref<!tpu.dma_semaphore, #tpu.memory_space<semaphore_mem>>) attributes {dimension_semantics = [#tpu.dimension_semantics<core_parallel>, #tpu.dimension_semantics<subcore_parallel>], iteration_bounds = array<i64: 2, 16>, scalar_prefetch = 0 : i64, scratch_operands = 12 : i64, tpu.core_type = #tpu.core_type<sc_vector_subcore>, window_params = [{transform_indices = #map}, {transform_indices = #map}, {transform_indices = #map}, {transform_indices = #map}, {transform_indices = #map}]} {
    %mul3A = arith.constant 2 : i32
    %mul3A_0 = arith.muli %arg1, %mul3A : i32
    %add3A = arith.addi %mul3A_0, %arg0 : i32
    %mul3A_1 = arith.constant 80 : i32
    %mul3A_2 = arith.muli %add3A, %mul3A_1 : i32
    "tpu.region"() ({
      %run_scoped3A = tpu.sem_alloc : memref<!tpu.dma_semaphore, #tpu.memory_space<semaphore_mem>>
      %dma_start3A = arith.constant 0 : i32
      %dma_start3A_27 = tpu.memref_slice %arg4[%mul3A_2, %dma_start3A] : memref<2560x128xi32, #tpu.memory_space<hbm>> -> memref<80x128xi32, #tpu.memory_space<hbm>>
      %dma_start3A_28 = arith.constant 0 : i32
      %dma_start3A_29 = tpu.memref_slice %arg4[%mul3A_2, %dma_start3A_28] : memref<2560x128xi32, #tpu.memory_space<hbm>> -> memref<80x128xi32, #tpu.memory_space<hbm>>
      tpu.enqueue_dma source(%dma_start3A_29 : memref<80x128xi32, #tpu.memory_space<hbm>>) target(%arg7 : memref<80x128xi32, #tpu.memory_space<vmem>>) target_semaphore(%run_scoped3A : memref<!tpu.dma_semaphore, #tpu.memory_space<semaphore_mem>>)
      %dma_wait3A = arith.constant 0 : i32
      %dma_wait3A_30 = tpu.memref_slice %arg4[%mul3A_2, %dma_wait3A] : memref<2560x128xi32, #tpu.memory_space<hbm>> -> memref<80x128xi32, #tpu.memory_space<hbm>>
      %dma_wait3A_31 = arith.constant 0 : i32
      %dma_wait3A_32 = tpu.memref_slice %arg4[%mul3A_2, %dma_wait3A_31] : memref<2560x128xi32, #tpu.memory_space<hbm>> -> memref<80x128xi32, #tpu.memory_space<hbm>>
      tpu.wait_dma2 semaphore(%run_scoped3A : memref<!tpu.dma_semaphore, #tpu.memory_space<semaphore_mem>>) src(%dma_wait3A_32 : memref<80x128xi32, #tpu.memory_space<hbm>>) dst(%arg7 : memref<80x128xi32, #tpu.memory_space<vmem>>)
      tpu.yield
    }) : () -> ()
    "tpu.region"() ({
      %run_scoped3A = tpu.sem_alloc : memref<!tpu.dma_semaphore, #tpu.memory_space<semaphore_mem>>
      %dma_start3A = arith.constant 0 : i32
      %dma_start3A_27 = tpu.memref_slice %arg5[%mul3A_2, %dma_start3A] : memref<2560x128xi32, #tpu.memory_space<hbm>> -> memref<80x128xi32, #tpu.memory_space<hbm>>
      %dma_start3A_28 = arith.constant 0 : i32
      %dma_start3A_29 = tpu.memref_slice %arg5[%mul3A_2, %dma_start3A_28] : memref<2560x128xi32, #tpu.memory_space<hbm>> -> memref<80x128xi32, #tpu.memory_space<hbm>>
      tpu.enqueue_dma source(%dma_start3A_29 : memref<80x128xi32, #tpu.memory_space<hbm>>) target(%arg8 : memref<80x128xi32, #tpu.memory_space<vmem>>) target_semaphore(%run_scoped3A : memref<!tpu.dma_semaphore, #tpu.memory_space<semaphore_mem>>)
      %dma_wait3A = arith.constant 0 : i32
      %dma_wait3A_30 = tpu.memref_slice %arg5[%mul3A_2, %dma_wait3A] : memref<2560x128xi32, #tpu.memory_space<hbm>> -> memref<80x128xi32, #tpu.memory_space<hbm>>
      %dma_wait3A_31 = arith.constant 0 : i32
      %dma_wait3A_32 = tpu.memref_slice %arg5[%mul3A_2, %dma_wait3A_31] : memref<2560x128xi32, #tpu.memory_space<hbm>> -> memref<80x128xi32, #tpu.memory_space<hbm>>
      tpu.wait_dma2 semaphore(%run_scoped3A : memref<!tpu.dma_semaphore, #tpu.memory_space<semaphore_mem>>) src(%dma_wait3A_32 : memref<80x128xi32, #tpu.memory_space<hbm>>) dst(%arg8 : memref<80x128xi32, #tpu.memory_space<vmem>>)
      tpu.yield
    }) : () -> ()
    %add3A_3 = arith.constant 0 : i32
    %add3A_4 = arith.addi %mul3A_2, %add3A_3 : i32
    %lt3A = arith.constant 2500 : i32
    %lt3A_5 = arith.cmpi slt, %add3A_4, %lt3A : i32
    %convert_element_type3A = arith.extui %lt3A_5 : i1 to i32
    %cond3A = arith.constant 0 : i32
    %cond3A_6 = arith.cmpi ne, %convert_element_type3A, %cond3A : i32
    scf.if %cond3A_6 {
      %dma_start3A = arith.constant 0 : i32
      %dma_start3A_27 = arith.constant 0 : i32
      %dma_start3A_28 = tpu.memref_slice %arg7[%dma_start3A, %dma_start3A_27] : memref<80x128xi32, #tpu.memory_space<vmem>> -> memref<1x128xi32, #tpu.memory_space<vmem>>
      %dma_start3A_29 = tpu.memref_squeeze %dma_start3A_28 : memref<1x128xi32, #tpu.memory_space<vmem>> -> memref<128xi32, #tpu.memory_space<vmem>>
      %dma_start3A_30 = arith.constant 0 : i32
      %dma_start3A_31 = arith.constant 0 : i32
      %dma_start3A_32 = tpu.memref_slice %arg2[%dma_start3A_30, %dma_start3A_31] : memref<10000x128xf32, #tpu.memory_space<hbm>> -> memref<10000x128xf32, #tpu.memory_space<hbm>>
      tpu.enqueue_indirect_dma source(%dma_start3A_32 : memref<10000x128xf32, #tpu.memory_space<hbm>>) target(%arg9 : memref<128x128xf32, #tpu.memory_space<vmem>>) offsets(%dma_start3A_29 : memref<128xi32, #tpu.memory_space<vmem>>) semaphore(%arg13 : memref<!tpu.dma_semaphore, #tpu.memory_space<semaphore_mem>>)
      %dma_start3A_33 = arith.constant 0 : i32
      %dma_start3A_34 = arith.constant 0 : i32
      %dma_start3A_35 = tpu.memref_slice %arg8[%dma_start3A_33, %dma_start3A_34] : memref<80x128xi32, #tpu.memory_space<vmem>> -> memref<1x128xi32, #tpu.memory_space<vmem>>
      %dma_start3A_36 = tpu.memref_squeeze %dma_start3A_35 : memref<1x128xi32, #tpu.memory_space<vmem>> -> memref<128xi32, #tpu.memory_space<vmem>>
      %dma_start3A_37 = arith.constant 0 : i32
      %dma_start3A_38 = arith.constant 0 : i32
      %dma_start3A_39 = tpu.memref_slice %arg3[%dma_start3A_37, %dma_start3A_38] : memref<10000x128xf32, #tpu.memory_space<hbm>> -> memref<10000x128xf32, #tpu.memory_space<hbm>>
      tpu.enqueue_indirect_dma source(%dma_start3A_39 : memref<10000x128xf32, #tpu.memory_space<hbm>>) target(%arg11 : memref<128x128xf32, #tpu.memory_space<vmem>>) offsets(%dma_start3A_36 : memref<128xi32, #tpu.memory_space<vmem>>) semaphore(%arg15 : memref<!tpu.dma_semaphore, #tpu.memory_space<semaphore_mem>>)
    } else {
    }
    %scan3A = arith.constant 0 : i32
    %scan3A_7 = arith.constant 0 : i32
    %scan3A_8 = arith.constant 40 : i32
    %scan3A_9 = arith.addi %scan3A_7, %scan3A_8 : i32
    %scan3A_10 = arith.constant 1 : i32
    %scan3A_11 = scf.for %scan3A_27 = %scan3A_7 to %scan3A_9 step %scan3A_10 iter_args(%scan3A_28 = %scan3A) -> (i32)  : i32 {
      %mul3A_29 = arith.constant 2 : i32
      %mul3A_30 = arith.muli %mul3A_29, %scan3A_27 : i32
      %add3A_31 = arith.constant 0 : i32
      %add3A_32 = arith.addi %mul3A_30, %add3A_31 : i32
      %add3A_33 = arith.constant 1 : i32
      %add3A_34 = arith.addi %add3A_32, %add3A_33 : i32
      %lt3A_35 = arith.constant 80 : i32
      %lt3A_36 = arith.cmpi slt, %add3A_34, %lt3A_35 : i32
      %convert_element_type3A_37 = arith.extui %lt3A_36 : i1 to i32
      %cond3A_38 = arith.constant 0 : i32
      %cond3A_39 = arith.cmpi ne, %convert_element_type3A_37, %cond3A_38 : i32
      scf.if %cond3A_39 {
        %ge3A = arith.constant 1 : i32
        %ge3A_64 = arith.cmpi sge, %add3A_32, %ge3A : i32
        %convert_element_type3A_65 = arith.extui %ge3A_64 : i1 to i32
        %cond3A_66 = arith.constant 0 : i32
        %cond3A_67 = arith.cmpi ne, %convert_element_type3A_65, %cond3A_66 : i32
        scf.if %cond3A_67 {
          %sub3A = arith.constant 1 : i32
          %sub3A_76 = arith.subi %add3A_32, %sub3A : i32
          %add3A_77 = arith.addi %mul3A_2, %sub3A_76 : i32
          %lt3A_78 = arith.constant 2500 : i32
          %lt3A_79 = arith.cmpi slt, %add3A_77, %lt3A_78 : i32
          %convert_element_type3A_80 = arith.extui %lt3A_79 : i1 to i32
          %cond3A_81 = arith.constant 0 : i32
          %cond3A_82 = arith.cmpi ne, %convert_element_type3A_80, %cond3A_81 : i32
          scf.if %cond3A_82 {
            %add3A_83 = arith.addi %mul3A_2, %sub3A_76 : i32
            %mul3A_84 = arith.constant 128 : i32
            %mul3A_85 = arith.muli %add3A_83, %mul3A_84 : i32
            %dma_wait3A = arith.constant 0 : i32
            %dma_wait3A_86 = tpu.memref_slice %arg6[%mul3A_85, %dma_wait3A] : memref<320000x128xf32, #tpu.memory_space<hbm>> -> memref<128x128xf32, #tpu.memory_space<hbm>>
            %dma_wait3A_87 = arith.constant 0 : i32
            %dma_wait3A_88 = tpu.memref_slice %arg6[%mul3A_85, %dma_wait3A_87] : memref<320000x128xf32, #tpu.memory_space<hbm>> -> memref<128x128xf32, #tpu.memory_space<hbm>>
            tpu.wait_dma2 semaphore(%arg18 : memref<!tpu.dma_semaphore, #tpu.memory_space<semaphore_mem>>) src(%arg10 : memref<128x128xf32, #tpu.memory_space<vmem>>) dst(%dma_wait3A_88 : memref<128x128xf32, #tpu.memory_space<hbm>>)
          } else {
          }
        } else {
        }
        %add3A_68 = arith.constant 1 : i32
        %add3A_69 = arith.addi %add3A_32, %add3A_68 : i32
        %add3A_70 = arith.addi %mul3A_2, %add3A_69 : i32
        %lt3A_71 = arith.constant 2500 : i32
        %lt3A_72 = arith.cmpi slt, %add3A_70, %lt3A_71 : i32
        %convert_element_type3A_73 = arith.extui %lt3A_72 : i1 to i32
        %cond3A_74 = arith.constant 0 : i32
        %cond3A_75 = arith.cmpi ne, %convert_element_type3A_73, %cond3A_74 : i32
        scf.if %cond3A_75 {
          %dma_start3A = arith.constant 0 : i32
          %dma_start3A_76 = tpu.memref_slice %arg7[%add3A_69, %dma_start3A] : memref<80x128xi32, #tpu.memory_space<vmem>> -> memref<1x128xi32, #tpu.memory_space<vmem>>
          %dma_start3A_77 = tpu.memref_squeeze %dma_start3A_76 : memref<1x128xi32, #tpu.memory_space<vmem>> -> memref<128xi32, #tpu.memory_space<vmem>>
          %dma_start3A_78 = arith.constant 0 : i32
          %dma_start3A_79 = arith.constant 0 : i32
          %dma_start3A_80 = tpu.memref_slice %arg2[%dma_start3A_78, %dma_start3A_79] : memref<10000x128xf32, #tpu.memory_space<hbm>> -> memref<10000x128xf32, #tpu.memory_space<hbm>>
          tpu.enqueue_indirect_dma source(%dma_start3A_80 : memref<10000x128xf32, #tpu.memory_space<hbm>>) target(%arg10 : memref<128x128xf32, #tpu.memory_space<vmem>>) offsets(%dma_start3A_77 : memref<128xi32, #tpu.memory_space<vmem>>) semaphore(%arg14 : memref<!tpu.dma_semaphore, #tpu.memory_space<semaphore_mem>>)
          %dma_start3A_81 = arith.constant 0 : i32
          %dma_start3A_82 = tpu.memref_slice %arg8[%add3A_69, %dma_start3A_81] : memref<80x128xi32, #tpu.memory_space<vmem>> -> memref<1x128xi32, #tpu.memory_space<vmem>>
          %dma_start3A_83 = tpu.memref_squeeze %dma_start3A_82 : memref<1x128xi32, #tpu.memory_space<vmem>> -> memref<128xi32, #tpu.memory_space<vmem>>
          %dma_start3A_84 = arith.constant 0 : i32
          %dma_start3A_85 = arith.constant 0 : i32
          %dma_start3A_86 = tpu.memref_slice %arg3[%dma_start3A_84, %dma_start3A_85] : memref<10000x128xf32, #tpu.memory_space<hbm>> -> memref<10000x128xf32, #tpu.memory_space<hbm>>
          tpu.enqueue_indirect_dma source(%dma_start3A_86 : memref<10000x128xf32, #tpu.memory_space<hbm>>) target(%arg12 : memref<128x128xf32, #tpu.memory_space<vmem>>) offsets(%dma_start3A_83 : memref<128xi32, #tpu.memory_space<vmem>>) semaphore(%arg16 : memref<!tpu.dma_semaphore, #tpu.memory_space<semaphore_mem>>)
        } else {
        }
      } else {
      }
      %add3A_40 = arith.addi %mul3A_2, %add3A_32 : i32
      %lt3A_41 = arith.constant 2500 : i32
      %lt3A_42 = arith.cmpi slt, %add3A_40, %lt3A_41 : i32
      %convert_element_type3A_43 = arith.extui %lt3A_42 : i1 to i32
      %cond3A_44 = arith.constant 0 : i32
      %cond3A_45 = arith.cmpi ne, %convert_element_type3A_43, %cond3A_44 : i32
      scf.if %cond3A_45 {
        %dma_wait3A = arith.constant 0 : i32
        %dma_wait3A_64 = tpu.memref_slice %arg7[%add3A_32, %dma_wait3A] : memref<80x128xi32, #tpu.memory_space<vmem>> -> memref<1x128xi32, #tpu.memory_space<vmem>>
        %dma_wait3A_65 = tpu.memref_squeeze %dma_wait3A_64 : memref<1x128xi32, #tpu.memory_space<vmem>> -> memref<128xi32, #tpu.memory_space<vmem>>
        %dma_wait3A_66 = arith.constant 0 : i32
        %dma_wait3A_67 = arith.constant 0 : i32
        %dma_wait3A_68 = tpu.memref_slice %arg2[%dma_wait3A_66, %dma_wait3A_67] : memref<10000x128xf32, #tpu.memory_space<hbm>> -> memref<10000x128xf32, #tpu.memory_space<hbm>>
        tpu.wait_indirect_dma semaphore(%arg13 : memref<!tpu.dma_semaphore, #tpu.memory_space<semaphore_mem>>) src(%dma_wait3A_68 : memref<10000x128xf32, #tpu.memory_space<hbm>>) dst(%arg9 : memref<128x128xf32, #tpu.memory_space<vmem>>)
        %dma_wait3A_69 = arith.constant 0 : i32
        %dma_wait3A_70 = tpu.memref_slice %arg8[%add3A_32, %dma_wait3A_69] : memref<80x128xi32, #tpu.memory_space<vmem>> -> memref<1x128xi32, #tpu.memory_space<vmem>>
        %dma_wait3A_71 = tpu.memref_squeeze %dma_wait3A_70 : memref<1x128xi32, #tpu.memory_space<vmem>> -> memref<128xi32, #tpu.memory_space<vmem>>
        %dma_wait3A_72 = arith.constant 0 : i32
        %dma_wait3A_73 = arith.constant 0 : i32
        %dma_wait3A_74 = tpu.memref_slice %arg3[%dma_wait3A_72, %dma_wait3A_73] : memref<10000x128xf32, #tpu.memory_space<hbm>> -> memref<10000x128xf32, #tpu.memory_space<hbm>>
        tpu.wait_indirect_dma semaphore(%arg15 : memref<!tpu.dma_semaphore, #tpu.memory_space<semaphore_mem>>) src(%dma_wait3A_74 : memref<10000x128xf32, #tpu.memory_space<hbm>>) dst(%arg11 : memref<128x128xf32, #tpu.memory_space<vmem>>)
        %scan3A_75 = arith.constant 0 : i32
        %scan3A_76 = arith.constant 0 : i32
        %scan3A_77 = arith.constant 128 : i32
        %scan3A_78 = arith.addi %scan3A_76, %scan3A_77 : i32
        %scan3A_79 = arith.constant 1 : i32
        %scan3A_80 = scf.for %scan3A_88 = %scan3A_76 to %scan3A_78 step %scan3A_79 iter_args(%scan3A_89 = %scan3A_75) -> (i32)  : i32 {
          %get3A = arith.index_cast %scan3A_88 : i32 to index
          %get3A_90 = arith.constant 0 : index
          %get3A_91 = tpu.vector_load %arg9[%get3A, %get3A_90] {strides = array<i32>} : memref<128x128xf32, #tpu.memory_space<vmem>>, vector<1x16xf32>,
          %get3A_92 = vector.shape_cast %get3A_91 : vector<1x16xf32> to vector<16xf32>
          %get3A_93 = arith.index_cast %scan3A_88 : i32 to index
          %get3A_94 = arith.constant 0 : index
          %get3A_95 = tpu.vector_load %arg11[%get3A_93, %get3A_94] {strides = array<i32>} : memref<128x128xf32, #tpu.memory_space<vmem>>, vector<1x16xf32>,
          %get3A_96 = vector.shape_cast %get3A_95 : vector<1x16xf32> to vector<16xf32>
          %add3A_97 = arith.addf %get3A_92, %get3A_96 : vector<16xf32>
          %swap3A = arith.index_cast %scan3A_88 : i32 to index
          %swap3A_98 = arith.constant 0 : index
          %swap3A_99 = tpu.vector_load %arg9[%swap3A, %swap3A_98] {strides = array<i32>} : memref<128x128xf32, #tpu.memory_space<vmem>>, vector<1x16xf32>,
          %swap3A_100 = vector.shape_cast %swap3A_99 : vector<1x16xf32> to vector<16xf32>
          %swap3A_101 = vector.shape_cast %add3A_97 : vector<16xf32> to vector<1x16xf32>
          tpu.vector_store %arg9[%swap3A, %swap3A_98], %swap3A_101 {strides = array<i32>} : memref<128x128xf32, #tpu.memory_space<vmem>>, vector<1x16xf32>,
          %get3A_102 = arith.index_cast %scan3A_88 : i32 to index
          %get3A_103 = arith.constant 16 : index
          %get3A_104 = tpu.vector_load %arg9[%get3A_102, %get3A_103] {strides = array<i32>} : memref<128x128xf32, #tpu.memory_space<vmem>>, vector<1x16xf32>,
          %get3A_105 = vector.shape_cast %get3A_104 : vector<1x16xf32> to vector<16xf32>
          %get3A_106 = arith.index_cast %scan3A_88 : i32 to index
          %get3A_107 = arith.constant 16 : index
          %get3A_108 = tpu.vector_load %arg11[%get3A_106, %get3A_107] {strides = array<i32>} : memref<128x128xf32, #tpu.memory_space<vmem>>, vector<1x16xf32>,
          %get3A_109 = vector.shape_cast %get3A_108 : vector<1x16xf32> to vector<16xf32>
          %add3A_110 = arith.addf %get3A_105, %get3A_109 : vector<16xf32>
          %swap3A_111 = arith.index_cast %scan3A_88 : i32 to index
          %swap3A_112 = arith.constant 16 : index
          %swap3A_113 = tpu.vector_load %arg9[%swap3A_111, %swap3A_112] {strides = array<i32>} : memref<128x128xf32, #tpu.memory_space<vmem>>, vector<1x16xf32>,
          %swap3A_114 = vector.shape_cast %swap3A_113 : vector<1x16xf32> to vector<16xf32>
          %swap3A_115 = vector.shape_cast %add3A_110 : vector<16xf32> to vector<1x16xf32>
          tpu.vector_store %arg9[%swap3A_111, %swap3A_112], %swap3A_115 {strides = array<i32>} : memref<128x128xf32, #tpu.memory_space<vmem>>, vector<1x16xf32>,
          %get3A_116 = arith.index_cast %scan3A_88 : i32 to index
          %get3A_117 = arith.constant 32 : index
          %get3A_118 = tpu.vector_load %arg9[%get3A_116, %get3A_117] {strides = array<i32>} : memref<128x128xf32, #tpu.memory_space<vmem>>, vector<1x16xf32>,
          %get3A_119 = vector.shape_cast %get3A_118 : vector<1x16xf32> to vector<16xf32>
          %get3A_120 = arith.index_cast %scan3A_88 : i32 to index
          %get3A_121 = arith.constant 32 : index
          %get3A_122 = tpu.vector_load %arg11[%get3A_120, %get3A_121] {strides = array<i32>} : memref<128x128xf32, #tpu.memory_space<vmem>>, vector<1x16xf32>,
          %get3A_123 = vector.shape_cast %get3A_122 : vector<1x16xf32> to vector<16xf32>
          %add3A_124 = arith.addf %get3A_119, %get3A_123 : vector<16xf32>
          %swap3A_125 = arith.index_cast %scan3A_88 : i32 to index
          %swap3A_126 = arith.constant 32 : index
          %swap3A_127 = tpu.vector_load %arg9[%swap3A_125, %swap3A_126] {strides = array<i32>} : memref<128x128xf32, #tpu.memory_space<vmem>>, vector<1x16xf32>,
          %swap3A_128 = vector.shape_cast %swap3A_127 : vector<1x16xf32> to vector<16xf32>
          %swap3A_129 = vector.shape_cast %add3A_124 : vector<16xf32> to vector<1x16xf32>
          tpu.vector_store %arg9[%swap3A_125, %swap3A_126], %swap3A_129 {strides = array<i32>} : memref<128x128xf32, #tpu.memory_space<vmem>>, vector<1x16xf32>,
          %get3A_130 = arith.index_cast %scan3A_88 : i32 to index
          %get3A_131 = arith.constant 48 : index
          %get3A_132 = tpu.vector_load %arg9[%get3A_130, %get3A_131] {strides = array<i32>} : memref<128x128xf32, #tpu.memory_space<vmem>>, vector<1x16xf32>,
          %get3A_133 = vector.shape_cast %get3A_132 : vector<1x16xf32> to vector<16xf32>
          %get3A_134 = arith.index_cast %scan3A_88 : i32 to index
          %get3A_135 = arith.constant 48 : index
          %get3A_136 = tpu.vector_load %arg11[%get3A_134, %get3A_135] {strides = array<i32>} : memref<128x128xf32, #tpu.memory_space<vmem>>, vector<1x16xf32>,
          %get3A_137 = vector.shape_cast %get3A_136 : vector<1x16xf32> to vector<16xf32>
          %add3A_138 = arith.addf %get3A_133, %get3A_137 : vector<16xf32>
          %swap3A_139 = arith.index_cast %scan3A_88 : i32 to index
          %swap3A_140 = arith.constant 48 : index
          %swap3A_141 = tpu.vector_load %arg9[%swap3A_139, %swap3A_140] {strides = array<i32>} : memref<128x128xf32, #tpu.memory_space<vmem>>, vector<1x16xf32>,
          %swap3A_142 = vector.shape_cast %swap3A_141 : vector<1x16xf32> to vector<16xf32>
          %swap3A_143 = vector.shape_cast %add3A_138 : vector<16xf32> to vector<1x16xf32>
          tpu.vector_store %arg9[%swap3A_139, %swap3A_140], %swap3A_143 {strides = array<i32>} : memref<128x128xf32, #tpu.memory_space<vmem>>, vector<1x16xf32>,
          %get3A_144 = arith.index_cast %scan3A_88 : i32 to index
          %get3A_145 = arith.constant 64 : index
          %get3A_146 = tpu.vector_load %arg9[%get3A_144, %get3A_145] {strides = array<i32>} : memref<128x128xf32, #tpu.memory_space<vmem>>, vector<1x16xf32>,
          %get3A_147 = vector.shape_cast %get3A_146 : vector<1x16xf32> to vector<16xf32>
          %get3A_148 = arith.index_cast %scan3A_88 : i32 to index
          %get3A_149 = arith.constant 64 : index
          %get3A_150 = tpu.vector_load %arg11[%get3A_148, %get3A_149] {strides = array<i32>} : memref<128x128xf32, #tpu.memory_space<vmem>>, vector<1x16xf32>,
          %get3A_151 = vector.shape_cast %get3A_150 : vector<1x16xf32> to vector<16xf32>
          %add3A_152 = arith.addf %get3A_147, %get3A_151 : vector<16xf32>
          %swap3A_153 = arith.index_cast %scan3A_88 : i32 to index
          %swap3A_154 = arith.constant 64 : index
          %swap3A_155 = tpu.vector_load %arg9[%swap3A_153, %swap3A_154] {strides = array<i32>} : memref<128x128xf32, #tpu.memory_space<vmem>>, vector<1x16xf32>,
          %swap3A_156 = vector.shape_cast %swap3A_155 : vector<1x16xf32> to vector<16xf32>
          %swap3A_157 = vector.shape_cast %add3A_152 : vector<16xf32> to vector<1x16xf32>
          tpu.vector_store %arg9[%swap3A_153, %swap3A_154], %swap3A_157 {strides = array<i32>} : memref<128x128xf32, #tpu.memory_space<vmem>>, vector<1x16xf32>,
          %get3A_158 = arith.index_cast %scan3A_88 : i32 to index
          %get3A_159 = arith.constant 80 : index
          %get3A_160 = tpu.vector_load %arg9[%get3A_158, %get3A_159] {strides = array<i32>} : memref<128x128xf32, #tpu.memory_space<vmem>>, vector<1x16xf32>,
          %get3A_161 = vector.shape_cast %get3A_160 : vector<1x16xf32> to vector<16xf32>
          %get3A_162 = arith.index_cast %scan3A_88 : i32 to index
          %get3A_163 = arith.constant 80 : index
          %get3A_164 = tpu.vector_load %arg11[%get3A_162, %get3A_163] {strides = array<i32>} : memref<128x128xf32, #tpu.memory_space<vmem>>, vector<1x16xf32>,
          %get3A_165 = vector.shape_cast %get3A_164 : vector<1x16xf32> to vector<16xf32>
          %add3A_166 = arith.addf %get3A_161, %get3A_165 : vector<16xf32>
          %swap3A_167 = arith.index_cast %scan3A_88 : i32 to index
          %swap3A_168 = arith.constant 80 : index
          %swap3A_169 = tpu.vector_load %arg9[%swap3A_167, %swap3A_168] {strides = array<i32>} : memref<128x128xf32, #tpu.memory_space<vmem>>, vector<1x16xf32>,
          %swap3A_170 = vector.shape_cast %swap3A_169 : vector<1x16xf32> to vector<16xf32>
          %swap3A_171 = vector.shape_cast %add3A_166 : vector<16xf32> to vector<1x16xf32>
          tpu.vector_store %arg9[%swap3A_167, %swap3A_168], %swap3A_171 {strides = array<i32>} : memref<128x128xf32, #tpu.memory_space<vmem>>, vector<1x16xf32>,
          %get3A_172 = arith.index_cast %scan3A_88 : i32 to index
          %get3A_173 = arith.constant 96 : index
          %get3A_174 = tpu.vector_load %arg9[%get3A_172, %get3A_173] {strides = array<i32>} : memref<128x128xf32, #tpu.memory_space<vmem>>, vector<1x16xf32>,
          %get3A_175 = vector.shape_cast %get3A_174 : vector<1x16xf32> to vector<16xf32>
          %get3A_176 = arith.index_cast %scan3A_88 : i32 to index
          %get3A_177 = arith.constant 96 : index
          %get3A_178 = tpu.vector_load %arg11[%get3A_176, %get3A_177] {strides = array<i32>} : memref<128x128xf32, #tpu.memory_space<vmem>>, vector<1x16xf32>,
          %get3A_179 = vector.shape_cast %get3A_178 : vector<1x16xf32> to vector<16xf32>
          %add3A_180 = arith.addf %get3A_175, %get3A_179 : vector<16xf32>
          %swap3A_181 = arith.index_cast %scan3A_88 : i32 to index
          %swap3A_182 = arith.constant 96 : index
          %swap3A_183 = tpu.vector_load %arg9[%swap3A_181, %swap3A_182] {strides = array<i32>} : memref<128x128xf32, #tpu.memory_space<vmem>>, vector<1x16xf32>,
          %swap3A_184 = vector.shape_cast %swap3A_183 : vector<1x16xf32> to vector<16xf32>
          %swap3A_185 = vector.shape_cast %add3A_180 : vector<16xf32> to vector<1x16xf32>
          tpu.vector_store %arg9[%swap3A_181, %swap3A_182], %swap3A_185 {strides = array<i32>} : memref<128x128xf32, #tpu.memory_space<vmem>>, vector<1x16xf32>,
          %get3A_186 = arith.index_cast %scan3A_88 : i32 to index
          %get3A_187 = arith.constant 112 : index
          %get3A_188 = tpu.vector_load %arg9[%get3A_186, %get3A_187] {strides = array<i32>} : memref<128x128xf32, #tpu.memory_space<vmem>>, vector<1x16xf32>,
          %get3A_189 = vector.shape_cast %get3A_188 : vector<1x16xf32> to vector<16xf32>
          %get3A_190 = arith.index_cast %scan3A_88 : i32 to index
          %get3A_191 = arith.constant 112 : index
          %get3A_192 = tpu.vector_load %arg11[%get3A_190, %get3A_191] {strides = array<i32>} : memref<128x128xf32, #tpu.memory_space<vmem>>, vector<1x16xf32>,
          %get3A_193 = vector.shape_cast %get3A_192 : vector<1x16xf32> to vector<16xf32>
          %add3A_194 = arith.addf %get3A_189, %get3A_193 : vector<16xf32>
          %swap3A_195 = arith.index_cast %scan3A_88 : i32 to index
          %swap3A_196 = arith.constant 112 : index
          %swap3A_197 = tpu.vector_load %arg9[%swap3A_195, %swap3A_196] {strides = array<i32>} : memref<128x128xf32, #tpu.memory_space<vmem>>, vector<1x16xf32>,
          %swap3A_198 = vector.shape_cast %swap3A_197 : vector<1x16xf32> to vector<16xf32>
          %swap3A_199 = vector.shape_cast %add3A_194 : vector<16xf32> to vector<1x16xf32>
          tpu.vector_store %arg9[%swap3A_195, %swap3A_196], %swap3A_199 {strides = array<i32>} : memref<128x128xf32, #tpu.memory_space<vmem>>, vector<1x16xf32>,
          %scan3A_200 = arith.constant 0 : i32
          scf.yield %scan3A_200 : i32
        }
        %scan3A_81 = arith.constant 128 : i32
        %add3A_82 = arith.addi %mul3A_2, %add3A_32 : i32
        %mul3A_83 = arith.constant 128 : i32
        %mul3A_84 = arith.muli %add3A_82, %mul3A_83 : i32
        %dma_start3A = arith.constant 0 : i32
        %dma_start3A_85 = tpu.memref_slice %arg6[%mul3A_84, %dma_start3A] : memref<320000x128xf32, #tpu.memory_space<hbm>> -> memref<128x128xf32, #tpu.memory_space<hbm>>
        %dma_start3A_86 = arith.constant 0 : i32
        %dma_start3A_87 = tpu.memref_slice %arg6[%mul3A_84, %dma_start3A_86] : memref<320000x128xf32, #tpu.memory_space<hbm>> -> memref<128x128xf32, #tpu.memory_space<hbm>>
        tpu.enqueue_dma source(%arg9 : memref<128x128xf32, #tpu.memory_space<vmem>>) target(%dma_start3A_87 : memref<128x128xf32, #tpu.memory_space<hbm>>) target_semaphore(%arg17 : memref<!tpu.dma_semaphore, #tpu.memory_space<semaphore_mem>>)
      } else {
      }
      %mul3A_46 = arith.constant 2 : i32
      %mul3A_47 = arith.muli %mul3A_46, %scan3A_27 : i32
      %add3A_48 = arith.constant 1 : i32
      %add3A_49 = arith.addi %mul3A_47, %add3A_48 : i32
      %add3A_50 = arith.constant 1 : i32
      %add3A_51 = arith.addi %add3A_49, %add3A_50 : i32
      %lt3A_52 = arith.constant 80 : i32
      %lt3A_53 = arith.cmpi slt, %add3A_51, %lt3A_52 : i32
      %convert_element_type3A_54 = arith.extui %lt3A_53 : i1 to i32
      %cond3A_55 = arith.constant 0 : i32
      %cond3A_56 = arith.cmpi ne, %convert_element_type3A_54, %cond3A_55 : i32
      scf.if %cond3A_56 {
        %ge3A = arith.constant 1 : i32
        %ge3A_64 = arith.cmpi sge, %add3A_49, %ge3A : i32
        %convert_element_type3A_65 = arith.extui %ge3A_64 : i1 to i32
        %cond3A_66 = arith.constant 0 : i32
        %cond3A_67 = arith.cmpi ne, %convert_element_type3A_65, %cond3A_66 : i32
        scf.if %cond3A_67 {
          %sub3A = arith.constant 1 : i32
          %sub3A_76 = arith.subi %add3A_49, %sub3A : i32
          %add3A_77 = arith.addi %mul3A_2, %sub3A_76 : i32
          %lt3A_78 = arith.constant 2500 : i32
          %lt3A_79 = arith.cmpi slt, %add3A_77, %lt3A_78 : i32
          %convert_element_type3A_80 = arith.extui %lt3A_79 : i1 to i32
          %cond3A_81 = arith.constant 0 : i32
          %cond3A_82 = arith.cmpi ne, %convert_element_type3A_80, %cond3A_81 : i32
          scf.if %cond3A_82 {
            %add3A_83 = arith.addi %mul3A_2, %sub3A_76 : i32
            %mul3A_84 = arith.constant 128 : i32
            %mul3A_85 = arith.muli %add3A_83, %mul3A_84 : i32
            %dma_wait3A = arith.constant 0 : i32
            %dma_wait3A_86 = tpu.memref_slice %arg6[%mul3A_85, %dma_wait3A] : memref<320000x128xf32, #tpu.memory_space<hbm>> -> memref<128x128xf32, #tpu.memory_space<hbm>>
            %dma_wait3A_87 = arith.constant 0 : i32
            %dma_wait3A_88 = tpu.memref_slice %arg6[%mul3A_85, %dma_wait3A_87] : memref<320000x128xf32, #tpu.memory_space<hbm>> -> memref<128x128xf32, #tpu.memory_space<hbm>>
            tpu.wait_dma2 semaphore(%arg17 : memref<!tpu.dma_semaphore, #tpu.memory_space<semaphore_mem>>) src(%arg9 : memref<128x128xf32, #tpu.memory_space<vmem>>) dst(%dma_wait3A_88 : memref<128x128xf32, #tpu.memory_space<hbm>>)
          } else {
          }
        } else {
        }
        %add3A_68 = arith.constant 1 : i32
        %add3A_69 = arith.addi %add3A_49, %add3A_68 : i32
        %add3A_70 = arith.addi %mul3A_2, %add3A_69 : i32
        %lt3A_71 = arith.constant 2500 : i32
        %lt3A_72 = arith.cmpi slt, %add3A_70, %lt3A_71 : i32
        %convert_element_type3A_73 = arith.extui %lt3A_72 : i1 to i32
        %cond3A_74 = arith.constant 0 : i32
        %cond3A_75 = arith.cmpi ne, %convert_element_type3A_73, %cond3A_74 : i32
        scf.if %cond3A_75 {
          %dma_start3A = arith.constant 0 : i32
          %dma_start3A_76 = tpu.memref_slice %arg7[%add3A_69, %dma_start3A] : memref<80x128xi32, #tpu.memory_space<vmem>> -> memref<1x128xi32, #tpu.memory_space<vmem>>
          %dma_start3A_77 = tpu.memref_squeeze %dma_start3A_76 : memref<1x128xi32, #tpu.memory_space<vmem>> -> memref<128xi32, #tpu.memory_space<vmem>>
          %dma_start3A_78 = arith.constant 0 : i32
          %dma_start3A_79 = arith.constant 0 : i32
          %dma_start3A_80 = tpu.memref_slice %arg2[%dma_start3A_78, %dma_start3A_79] : memref<10000x128xf32, #tpu.memory_space<hbm>> -> memref<10000x128xf32, #tpu.memory_space<hbm>>
          tpu.enqueue_indirect_dma source(%dma_start3A_80 : memref<10000x128xf32, #tpu.memory_space<hbm>>) target(%arg9 : memref<128x128xf32, #tpu.memory_space<vmem>>) offsets(%dma_start3A_77 : memref<128xi32, #tpu.memory_space<vmem>>) semaphore(%arg13 : memref<!tpu.dma_semaphore, #tpu.memory_space<semaphore_mem>>)
          %dma_start3A_81 = arith.constant 0 : i32
          %dma_start3A_82 = tpu.memref_slice %arg8[%add3A_69, %dma_start3A_81] : memref<80x128xi32, #tpu.memory_space<vmem>> -> memref<1x128xi32, #tpu.memory_space<vmem>>
          %dma_start3A_83 = tpu.memref_squeeze %dma_start3A_82 : memref<1x128xi32, #tpu.memory_space<vmem>> -> memref<128xi32, #tpu.memory_space<vmem>>
          %dma_start3A_84 = arith.constant 0 : i32
          %dma_start3A_85 = arith.constant 0 : i32
          %dma_start3A_86 = tpu.memref_slice %arg3[%dma_start3A_84, %dma_start3A_85] : memref<10000x128xf32, #tpu.memory_space<hbm>> -> memref<10000x128xf32, #tpu.memory_space<hbm>>
          tpu.enqueue_indirect_dma source(%dma_start3A_86 : memref<10000x128xf32, #tpu.memory_space<hbm>>) target(%arg11 : memref<128x128xf32, #tpu.memory_space<vmem>>) offsets(%dma_start3A_83 : memref<128xi32, #tpu.memory_space<vmem>>) semaphore(%arg15 : memref<!tpu.dma_semaphore, #tpu.memory_space<semaphore_mem>>)
        } else {
        }
      } else {
      }
      %add3A_57 = arith.addi %mul3A_2, %add3A_49 : i32
      %lt3A_58 = arith.constant 2500 : i32
      %lt3A_59 = arith.cmpi slt, %add3A_57, %lt3A_58 : i32
      %convert_element_type3A_60 = arith.extui %lt3A_59 : i1 to i32
      %cond3A_61 = arith.constant 0 : i32
      %cond3A_62 = arith.cmpi ne, %convert_element_type3A_60, %cond3A_61 : i32
      scf.if %cond3A_62 {
        %dma_wait3A = arith.constant 0 : i32
        %dma_wait3A_64 = tpu.memref_slice %arg7[%add3A_49, %dma_wait3A] : memref<80x128xi32, #tpu.memory_space<vmem>> -> memref<1x128xi32, #tpu.memory_space<vmem>>
        %dma_wait3A_65 = tpu.memref_squeeze %dma_wait3A_64 : memref<1x128xi32, #tpu.memory_space<vmem>> -> memref<128xi32, #tpu.memory_space<vmem>>
        %dma_wait3A_66 = arith.constant 0 : i32
        %dma_wait3A_67 = arith.constant 0 : i32
        %dma_wait3A_68 = tpu.memref_slice %arg2[%dma_wait3A_66, %dma_wait3A_67] : memref<10000x128xf32, #tpu.memory_space<hbm>> -> memref<10000x128xf32, #tpu.memory_space<hbm>>
        tpu.wait_indirect_dma semaphore(%arg14 : memref<!tpu.dma_semaphore, #tpu.memory_space<semaphore_mem>>) src(%dma_wait3A_68 : memref<10000x128xf32, #tpu.memory_space<hbm>>) dst(%arg10 : memref<128x128xf32, #tpu.memory_space<vmem>>)
        %dma_wait3A_69 = arith.constant 0 : i32
        %dma_wait3A_70 = tpu.memref_slice %arg8[%add3A_49, %dma_wait3A_69] : memref<80x128xi32, #tpu.memory_space<vmem>> -> memref<1x128xi32, #tpu.memory_space<vmem>>
        %dma_wait3A_71 = tpu.memref_squeeze %dma_wait3A_70 : memref<1x128xi32, #tpu.memory_space<vmem>> -> memref<128xi32, #tpu.memory_space<vmem>>
        %dma_wait3A_72 = arith.constant 0 : i32
        %dma_wait3A_73 = arith.constant 0 : i32
        %dma_wait3A_74 = tpu.memref_slice %arg3[%dma_wait3A_72, %dma_wait3A_73] : memref<10000x128xf32, #tpu.memory_space<hbm>> -> memref<10000x128xf32, #tpu.memory_space<hbm>>
        tpu.wait_indirect_dma semaphore(%arg16 : memref<!tpu.dma_semaphore, #tpu.memory_space<semaphore_mem>>) src(%dma_wait3A_74 : memref<10000x128xf32, #tpu.memory_space<hbm>>) dst(%arg12 : memref<128x128xf32, #tpu.memory_space<vmem>>)
        %scan3A_75 = arith.constant 0 : i32
        %scan3A_76 = arith.constant 0 : i32
        %scan3A_77 = arith.constant 128 : i32
        %scan3A_78 = arith.addi %scan3A_76, %scan3A_77 : i32
        %scan3A_79 = arith.constant 1 : i32
        %scan3A_80 = scf.for %scan3A_88 = %scan3A_76 to %scan3A_78 step %scan3A_79 iter_args(%scan3A_89 = %scan3A_75) -> (i32)  : i32 {
          %get3A = arith.index_cast %scan3A_88 : i32 to index
          %get3A_90 = arith.constant 0 : index
          %get3A_91 = tpu.vector_load %arg10[%get3A, %get3A_90] {strides = array<i32>} : memref<128x128xf32, #tpu.memory_space<vmem>>, vector<1x16xf32>,
          %get3A_92 = vector.shape_cast %get3A_91 : vector<1x16xf32> to vector<16xf32>
          %get3A_93 = arith.index_cast %scan3A_88 : i32 to index
          %get3A_94 = arith.constant 0 : index
          %get3A_95 = tpu.vector_load %arg12[%get3A_93, %get3A_94] {strides = array<i32>} : memref<128x128xf32, #tpu.memory_space<vmem>>, vector<1x16xf32>,
          %get3A_96 = vector.shape_cast %get3A_95 : vector<1x16xf32> to vector<16xf32>
          %add3A_97 = arith.addf %get3A_92, %get3A_96 : vector<16xf32>
          %swap3A = arith.index_cast %scan3A_88 : i32 to index
          %swap3A_98 = arith.constant 0 : index
          %swap3A_99 = tpu.vector_load %arg10[%swap3A, %swap3A_98] {strides = array<i32>} : memref<128x128xf32, #tpu.memory_space<vmem>>, vector<1x16xf32>,
          %swap3A_100 = vector.shape_cast %swap3A_99 : vector<1x16xf32> to vector<16xf32>
          %swap3A_101 = vector.shape_cast %add3A_97 : vector<16xf32> to vector<1x16xf32>
          tpu.vector_store %arg10[%swap3A, %swap3A_98], %swap3A_101 {strides = array<i32>} : memref<128x128xf32, #tpu.memory_space<vmem>>, vector<1x16xf32>,
          %get3A_102 = arith.index_cast %scan3A_88 : i32 to index
          %get3A_103 = arith.constant 16 : index
          %get3A_104 = tpu.vector_load %arg10[%get3A_102, %get3A_103] {strides = array<i32>} : memref<128x128xf32, #tpu.memory_space<vmem>>, vector<1x16xf32>,
          %get3A_105 = vector.shape_cast %get3A_104 : vector<1x16xf32> to vector<16xf32>
          %get3A_106 = arith.index_cast %scan3A_88 : i32 to index
          %get3A_107 = arith.constant 16 : index
          %get3A_108 = tpu.vector_load %arg12[%get3A_106, %get3A_107] {strides = array<i32>} : memref<128x128xf32, #tpu.memory_space<vmem>>, vector<1x16xf32>,
          %get3A_109 = vector.shape_cast %get3A_108 : vector<1x16xf32> to vector<16xf32>
          %add3A_110 = arith.addf %get3A_105, %get3A_109 : vector<16xf32>
          %swap3A_111 = arith.index_cast %scan3A_88 : i32 to index
          %swap3A_112 = arith.constant 16 : index
          %swap3A_113 = tpu.vector_load %arg10[%swap3A_111, %swap3A_112] {strides = array<i32>} : memref<128x128xf32, #tpu.memory_space<vmem>>, vector<1x16xf32>,
          %swap3A_114 = vector.shape_cast %swap3A_113 : vector<1x16xf32> to vector<16xf32>
          %swap3A_115 = vector.shape_cast %add3A_110 : vector<16xf32> to vector<1x16xf32>
          tpu.vector_store %arg10[%swap3A_111, %swap3A_112], %swap3A_115 {strides = array<i32>} : memref<128x128xf32, #tpu.memory_space<vmem>>, vector<1x16xf32>,
          %get3A_116 = arith.index_cast %scan3A_88 : i32 to index
          %get3A_117 = arith.constant 32 : index
          %get3A_118 = tpu.vector_load %arg10[%get3A_116, %get3A_117] {strides = array<i32>} : memref<128x128xf32, #tpu.memory_space<vmem>>, vector<1x16xf32>,
          %get3A_119 = vector.shape_cast %get3A_118 : vector<1x16xf32> to vector<16xf32>
          %get3A_120 = arith.index_cast %scan3A_88 : i32 to index
          %get3A_121 = arith.constant 32 : index
          %get3A_122 = tpu.vector_load %arg12[%get3A_120, %get3A_121] {strides = array<i32>} : memref<128x128xf32, #tpu.memory_space<vmem>>, vector<1x16xf32>,
          %get3A_123 = vector.shape_cast %get3A_122 : vector<1x16xf32> to vector<16xf32>
          %add3A_124 = arith.addf %get3A_119, %get3A_123 : vector<16xf32>
          %swap3A_125 = arith.index_cast %scan3A_88 : i32 to index
          %swap3A_126 = arith.constant 32 : index
          %swap3A_127 = tpu.vector_load %arg10[%swap3A_125, %swap3A_126] {strides = array<i32>} : memref<128x128xf32, #tpu.memory_space<vmem>>, vector<1x16xf32>,
          %swap3A_128 = vector.shape_cast %swap3A_127 : vector<1x16xf32> to vector<16xf32>
          %swap3A_129 = vector.shape_cast %add3A_124 : vector<16xf32> to vector<1x16xf32>
          tpu.vector_store %arg10[%swap3A_125, %swap3A_126], %swap3A_129 {strides = array<i32>} : memref<128x128xf32, #tpu.memory_space<vmem>>, vector<1x16xf32>,
          %get3A_130 = arith.index_cast %scan3A_88 : i32 to index
          %get3A_131 = arith.constant 48 : index
          %get3A_132 = tpu.vector_load %arg10[%get3A_130, %get3A_131] {strides = array<i32>} : memref<128x128xf32, #tpu.memory_space<vmem>>, vector<1x16xf32>,
          %get3A_133 = vector.shape_cast %get3A_132 : vector<1x16xf32> to vector<16xf32>
          %get3A_134 = arith.index_cast %scan3A_88 : i32 to index
          %get3A_135 = arith.constant 48 : index
          %get3A_136 = tpu.vector_load %arg12[%get3A_134, %get3A_135] {strides = array<i32>} : memref<128x128xf32, #tpu.memory_space<vmem>>, vector<1x16xf32>,
          %get3A_137 = vector.shape_cast %get3A_136 : vector<1x16xf32> to vector<16xf32>
          %add3A_138 = arith.addf %get3A_133, %get3A_137 : vector<16xf32>
          %swap3A_139 = arith.index_cast %scan3A_88 : i32 to index
          %swap3A_140 = arith.constant 48 : index
          %swap3A_141 = tpu.vector_load %arg10[%swap3A_139, %swap3A_140] {strides = array<i32>} : memref<128x128xf32, #tpu.memory_space<vmem>>, vector<1x16xf32>,
          %swap3A_142 = vector.shape_cast %swap3A_141 : vector<1x16xf32> to vector<16xf32>
          %swap3A_143 = vector.shape_cast %add3A_138 : vector<16xf32> to vector<1x16xf32>
          tpu.vector_store %arg10[%swap3A_139, %swap3A_140], %swap3A_143 {strides = array<i32>} : memref<128x128xf32, #tpu.memory_space<vmem>>, vector<1x16xf32>,
          %get3A_144 = arith.index_cast %scan3A_88 : i32 to index
          %get3A_145 = arith.constant 64 : index
          %get3A_146 = tpu.vector_load %arg10[%get3A_144, %get3A_145] {strides = array<i32>} : memref<128x128xf32, #tpu.memory_space<vmem>>, vector<1x16xf32>,
          %get3A_147 = vector.shape_cast %get3A_146 : vector<1x16xf32> to vector<16xf32>
          %get3A_148 = arith.index_cast %scan3A_88 : i32 to index
          %get3A_149 = arith.constant 64 : index
          %get3A_150 = tpu.vector_load %arg12[%get3A_148, %get3A_149] {strides = array<i32>} : memref<128x128xf32, #tpu.memory_space<vmem>>, vector<1x16xf32>,
          %get3A_151 = vector.shape_cast %get3A_150 : vector<1x16xf32> to vector<16xf32>
          %add3A_152 = arith.addf %get3A_147, %get3A_151 : vector<16xf32>
          %swap3A_153 = arith.index_cast %scan3A_88 : i32 to index
          %swap3A_154 = arith.constant 64 : index
          %swap3A_155 = tpu.vector_load %arg10[%swap3A_153, %swap3A_154] {strides = array<i32>} : memref<128x128xf32, #tpu.memory_space<vmem>>, vector<1x16xf32>,
          %swap3A_156 = vector.shape_cast %swap3A_155 : vector<1x16xf32> to vector<16xf32>
          %swap3A_157 = vector.shape_cast %add3A_152 : vector<16xf32> to vector<1x16xf32>
          tpu.vector_store %arg10[%swap3A_153, %swap3A_154], %swap3A_157 {strides = array<i32>} : memref<128x128xf32, #tpu.memory_space<vmem>>, vector<1x16xf32>,
          %get3A_158 = arith.index_cast %scan3A_88 : i32 to index
          %get3A_159 = arith.constant 80 : index
          %get3A_160 = tpu.vector_load %arg10[%get3A_158, %get3A_159] {strides = array<i32>} : memref<128x128xf32, #tpu.memory_space<vmem>>, vector<1x16xf32>,
          %get3A_161 = vector.shape_cast %get3A_160 : vector<1x16xf32> to vector<16xf32>
          %get3A_162 = arith.index_cast %scan3A_88 : i32 to index
          %get3A_163 = arith.constant 80 : index
          %get3A_164 = tpu.vector_load %arg12[%get3A_162, %get3A_163] {strides = array<i32>} : memref<128x128xf32, #tpu.memory_space<vmem>>, vector<1x16xf32>,
          %get3A_165 = vector.shape_cast %get3A_164 : vector<1x16xf32> to vector<16xf32>
          %add3A_166 = arith.addf %get3A_161, %get3A_165 : vector<16xf32>
          %swap3A_167 = arith.index_cast %scan3A_88 : i32 to index
          %swap3A_168 = arith.constant 80 : index
          %swap3A_169 = tpu.vector_load %arg10[%swap3A_167, %swap3A_168] {strides = array<i32>} : memref<128x128xf32, #tpu.memory_space<vmem>>, vector<1x16xf32>,
          %swap3A_170 = vector.shape_cast %swap3A_169 : vector<1x16xf32> to vector<16xf32>
          %swap3A_171 = vector.shape_cast %add3A_166 : vector<16xf32> to vector<1x16xf32>
          tpu.vector_store %arg10[%swap3A_167, %swap3A_168], %swap3A_171 {strides = array<i32>} : memref<128x128xf32, #tpu.memory_space<vmem>>, vector<1x16xf32>,
          %get3A_172 = arith.index_cast %scan3A_88 : i32 to index
          %get3A_173 = arith.constant 96 : index
          %get3A_174 = tpu.vector_load %arg10[%get3A_172, %get3A_173] {strides = array<i32>} : memref<128x128xf32, #tpu.memory_space<vmem>>, vector<1x16xf32>,
          %get3A_175 = vector.shape_cast %get3A_174 : vector<1x16xf32> to vector<16xf32>
          %get3A_176 = arith.index_cast %scan3A_88 : i32 to index
          %get3A_177 = arith.constant 96 : index
          %get3A_178 = tpu.vector_load %arg12[%get3A_176, %get3A_177] {strides = array<i32>} : memref<128x128xf32, #tpu.memory_space<vmem>>, vector<1x16xf32>,
          %get3A_179 = vector.shape_cast %get3A_178 : vector<1x16xf32> to vector<16xf32>
          %add3A_180 = arith.addf %get3A_175, %get3A_179 : vector<16xf32>
          %swap3A_181 = arith.index_cast %scan3A_88 : i32 to index
          %swap3A_182 = arith.constant 96 : index
          %swap3A_183 = tpu.vector_load %arg10[%swap3A_181, %swap3A_182] {strides = array<i32>} : memref<128x128xf32, #tpu.memory_space<vmem>>, vector<1x16xf32>,
          %swap3A_184 = vector.shape_cast %swap3A_183 : vector<1x16xf32> to vector<16xf32>
          %swap3A_185 = vector.shape_cast %add3A_180 : vector<16xf32> to vector<1x16xf32>
          tpu.vector_store %arg10[%swap3A_181, %swap3A_182], %swap3A_185 {strides = array<i32>} : memref<128x128xf32, #tpu.memory_space<vmem>>, vector<1x16xf32>,
          %get3A_186 = arith.index_cast %scan3A_88 : i32 to index
          %get3A_187 = arith.constant 112 : index
          %get3A_188 = tpu.vector_load %arg10[%get3A_186, %get3A_187] {strides = array<i32>} : memref<128x128xf32, #tpu.memory_space<vmem>>, vector<1x16xf32>,
          %get3A_189 = vector.shape_cast %get3A_188 : vector<1x16xf32> to vector<16xf32>
          %get3A_190 = arith.index_cast %scan3A_88 : i32 to index
          %get3A_191 = arith.constant 112 : index
          %get3A_192 = tpu.vector_load %arg12[%get3A_190, %get3A_191] {strides = array<i32>} : memref<128x128xf32, #tpu.memory_space<vmem>>, vector<1x16xf32>,
          %get3A_193 = vector.shape_cast %get3A_192 : vector<1x16xf32> to vector<16xf32>
          %add3A_194 = arith.addf %get3A_189, %get3A_193 : vector<16xf32>
          %swap3A_195 = arith.index_cast %scan3A_88 : i32 to index
          %swap3A_196 = arith.constant 112 : index
          %swap3A_197 = tpu.vector_load %arg10[%swap3A_195, %swap3A_196] {strides = array<i32>} : memref<128x128xf32, #tpu.memory_space<vmem>>, vector<1x16xf32>,
          %swap3A_198 = vector.shape_cast %swap3A_197 : vector<1x16xf32> to vector<16xf32>
          %swap3A_199 = vector.shape_cast %add3A_194 : vector<16xf32> to vector<1x16xf32>
          tpu.vector_store %arg10[%swap3A_195, %swap3A_196], %swap3A_199 {strides = array<i32>} : memref<128x128xf32, #tpu.memory_space<vmem>>, vector<1x16xf32>,
          %scan3A_200 = arith.constant 0 : i32
          scf.yield %scan3A_200 : i32
        }
        %scan3A_81 = arith.constant 128 : i32
        %add3A_82 = arith.addi %mul3A_2, %add3A_49 : i32
        %mul3A_83 = arith.constant 128 : i32
        %mul3A_84 = arith.muli %add3A_82, %mul3A_83 : i32
        %dma_start3A = arith.constant 0 : i32
        %dma_start3A_85 = tpu.memref_slice %arg6[%mul3A_84, %dma_start3A] : memref<320000x128xf32, #tpu.memory_space<hbm>> -> memref<128x128xf32, #tpu.memory_space<hbm>>
        %dma_start3A_86 = arith.constant 0 : i32
        %dma_start3A_87 = tpu.memref_slice %arg6[%mul3A_84, %dma_start3A_86] : memref<320000x128xf32, #tpu.memory_space<hbm>> -> memref<128x128xf32, #tpu.memory_space<hbm>>
        tpu.enqueue_dma source(%arg10 : memref<128x128xf32, #tpu.memory_space<vmem>>) target(%dma_start3A_87 : memref<128x128xf32, #tpu.memory_space<hbm>>) target_semaphore(%arg18 : memref<!tpu.dma_semaphore, #tpu.memory_space<semaphore_mem>>)
      } else {
      }
      %scan3A_63 = arith.constant 0 : i32
      scf.yield %scan3A_63 : i32
    }
    %scan3A_12 = arith.constant 40 : i32
    %add3A_13 = arith.constant 78 : i32
    %add3A_14 = arith.addi %mul3A_2, %add3A_13 : i32
    %lt3A_15 = arith.constant 2500 : i32
    %lt3A_16 = arith.cmpi slt, %add3A_14, %lt3A_15 : i32
    %convert_element_type3A_17 = arith.extui %lt3A_16 : i1 to i32
    %cond3A_18 = arith.constant 0 : i32
    %cond3A_19 = arith.cmpi ne, %convert_element_type3A_17, %cond3A_18 : i32
    scf.if %cond3A_19 {
      %add3A_27 = arith.constant 78 : i32
      %add3A_28 = arith.addi %mul3A_2, %add3A_27 : i32
      %mul3A_29 = arith.constant 128 : i32
      %mul3A_30 = arith.muli %add3A_28, %mul3A_29 : i32
      %dma_wait3A = arith.constant 0 : i32
      %dma_wait3A_31 = tpu.memref_slice %arg6[%mul3A_30, %dma_wait3A] : memref<320000x128xf32, #tpu.memory_space<hbm>> -> memref<128x128xf32, #tpu.memory_space<hbm>>
      %dma_wait3A_32 = arith.constant 0 : i32
      %dma_wait3A_33 = tpu.memref_slice %arg6[%mul3A_30, %dma_wait3A_32] : memref<320000x128xf32, #tpu.memory_space<hbm>> -> memref<128x128xf32, #tpu.memory_space<hbm>>
      tpu.wait_dma2 semaphore(%arg17 : memref<!tpu.dma_semaphore, #tpu.memory_space<semaphore_mem>>) src(%arg9 : memref<128x128xf32, #tpu.memory_space<vmem>>) dst(%dma_wait3A_33 : memref<128x128xf32, #tpu.memory_space<hbm>>)
    } else {
    }
    %add3A_20 = arith.constant 79 : i32
    %add3A_21 = arith.addi %mul3A_2, %add3A_20 : i32
    %lt3A_22 = arith.constant 2500 : i32
    %lt3A_23 = arith.cmpi slt, %add3A_21, %lt3A_22 : i32
    %convert_element_type3A_24 = arith.extui %lt3A_23 : i1 to i32
    %cond3A_25 = arith.constant 0 : i32
    %cond3A_26 = arith.cmpi ne, %convert_element_type3A_24, %cond3A_25 : i32
    scf.if %cond3A_26 {
      %add3A_27 = arith.constant 79 : i32
      %add3A_28 = arith.addi %mul3A_2, %add3A_27 : i32
      %mul3A_29 = arith.constant 128 : i32
      %mul3A_30 = arith.muli %add3A_28, %mul3A_29 : i32
      %dma_wait3A = arith.constant 0 : i32
      %dma_wait3A_31 = tpu.memref_slice %arg6[%mul3A_30, %dma_wait3A] : memref<320000x128xf32, #tpu.memory_space<hbm>> -> memref<128x128xf32, #tpu.memory_space<hbm>>
      %dma_wait3A_32 = arith.constant 0 : i32
      %dma_wait3A_33 = tpu.memref_slice %arg6[%mul3A_30, %dma_wait3A_32] : memref<320000x128xf32, #tpu.memory_space<hbm>> -> memref<128x128xf32, #tpu.memory_space<hbm>>
      tpu.wait_dma2 semaphore(%arg18 : memref<!tpu.dma_semaphore, #tpu.memory_space<semaphore_mem>>) src(%arg10 : memref<128x128xf32, #tpu.memory_space<vmem>>) dst(%dma_wait3A_33 : memref<128x128xf32, #tpu.memory_space<hbm>>)
    } else {
    }
    return
  }
}

#map = affine_map<(d0, d1) -> (0)>
#map1 = affine_map<(d0, d1) -> (0, 0)>
#map2 = affine_map<(d0, d1) -> (0, 0, 0, 0)>
module attributes {stable_mosaic.version = 14 : i64} {
  func.func @_scatter_kernel(%arg0: i32, %arg1: i32, %arg2: memref<5120000xf32, #tpu.memory_space<hbm>>, %arg3: memref<2560x128xi32, #tpu.memory_space<hbm>>, %arg4: memref<625x128xf32, #tpu.memory_space<hbm>>, %arg5: memref<128x128xf32, #tpu.memory_space<hbm>>, %arg6: memref<2x16x625x128xf32, #tpu.memory_space<hbm>>, %arg7: memref<80x128xi32, #tpu.memory_space<vmem>>, %arg8: memref<2048xf32, #tpu.memory_space<vmem>>, %arg9: memref<2048xf32, #tpu.memory_space<vmem>>, %arg10: memref<128x128xf32, #tpu.memory_space<vmem>>, %arg11: memref<128x128xf32, #tpu.memory_space<vmem>>, %arg12: memref<10000x128xf32, #tpu.memory_space<vmem_shared>>, %arg13: memref<!tpu.dma_semaphore, #tpu.memory_space<semaphore_mem>>, %arg14: memref<!tpu.dma_semaphore, #tpu.memory_space<semaphore_mem>>, %arg15: memref<!tpu.dma_semaphore, #tpu.memory_space<semaphore_mem>>, %arg16: memref<!tpu.dma_semaphore, #tpu.memory_space<semaphore_mem>>) attributes {dimension_semantics = [#tpu.dimension_semantics<core_parallel>, #tpu.dimension_semantics<subcore_parallel>], iteration_bounds = array<i64: 2, 16>, scalar_prefetch = 0 : i64, scratch_operands = 10 : i64, tpu.core_type = #tpu.core_type<sc_vector_subcore>, window_params = [{transform_indices = #map}, {transform_indices = #map1}, {transform_indices = #map1}, {transform_indices = #map1}, {transform_indices = #map2}]} {
    %mul3A = arith.constant 2 : i32
    %mul3A_0 = arith.muli %arg1, %mul3A : i32
    %add3A = arith.addi %mul3A_0, %arg0 : i32
    %mul3A_1 = arith.constant 80 : i32
    %mul3A_2 = arith.muli %add3A, %mul3A_1 : i32
    %mul3A_3 = arith.constant 625 : i32
    %mul3A_4 = arith.muli %arg1, %mul3A_3 : i32
    "tpu.region"() ({
      %run_scoped3A = tpu.sem_alloc : memref<!tpu.dma_semaphore, #tpu.memory_space<semaphore_mem>>
      %dma_start3A = arith.constant 0 : i32
      %dma_start3A_32 = tpu.memref_slice %arg12[%mul3A_4, %dma_start3A] : memref<10000x128xf32, #tpu.memory_space<vmem_shared>> -> memref<625x128xf32, #tpu.memory_space<vmem_shared>>
      tpu.enqueue_dma source(%arg4 : memref<625x128xf32, #tpu.memory_space<hbm>>) target(%dma_start3A_32 : memref<625x128xf32, #tpu.memory_space<vmem_shared>>) target_semaphore(%run_scoped3A : memref<!tpu.dma_semaphore, #tpu.memory_space<semaphore_mem>>)
      %dma_wait3A = arith.constant 0 : i32
      %dma_wait3A_33 = tpu.memref_slice %arg12[%mul3A_4, %dma_wait3A] : memref<10000x128xf32, #tpu.memory_space<vmem_shared>> -> memref<625x128xf32, #tpu.memory_space<vmem_shared>>
      tpu.wait_dma2 semaphore(%run_scoped3A : memref<!tpu.dma_semaphore, #tpu.memory_space<semaphore_mem>>) src(%arg4 : memref<625x128xf32, #tpu.memory_space<hbm>>) dst(%dma_wait3A_33 : memref<625x128xf32, #tpu.memory_space<vmem_shared>>)
      tpu.yield
    }) : () -> ()
    "tpu.region"() ({
      %run_scoped3A = tpu.sem_alloc : memref<!tpu.dma_semaphore, #tpu.memory_space<semaphore_mem>>
      tpu.enqueue_dma source(%arg5 : memref<128x128xf32, #tpu.memory_space<hbm>>) target(%arg10 : memref<128x128xf32, #tpu.memory_space<vmem>>) target_semaphore(%run_scoped3A : memref<!tpu.dma_semaphore, #tpu.memory_space<semaphore_mem>>)
      tpu.wait_dma2 semaphore(%run_scoped3A : memref<!tpu.dma_semaphore, #tpu.memory_space<semaphore_mem>>) src(%arg5 : memref<128x128xf32, #tpu.memory_space<hbm>>) dst(%arg10 : memref<128x128xf32, #tpu.memory_space<vmem>>)
      tpu.yield
    }) : () -> ()
    "tpu.region"() ({
      %run_scoped3A = tpu.sem_alloc : memref<!tpu.dma_semaphore, #tpu.memory_space<semaphore_mem>>
      tpu.enqueue_dma source(%arg5 : memref<128x128xf32, #tpu.memory_space<hbm>>) target(%arg11 : memref<128x128xf32, #tpu.memory_space<vmem>>) target_semaphore(%run_scoped3A : memref<!tpu.dma_semaphore, #tpu.memory_space<semaphore_mem>>)
      tpu.wait_dma2 semaphore(%run_scoped3A : memref<!tpu.dma_semaphore, #tpu.memory_space<semaphore_mem>>) src(%arg5 : memref<128x128xf32, #tpu.memory_space<hbm>>) dst(%arg11 : memref<128x128xf32, #tpu.memory_space<vmem>>)
      tpu.yield
    }) : () -> ()
    "tpu.region"() ({
      %run_scoped3A = tpu.sem_alloc : memref<!tpu.dma_semaphore, #tpu.memory_space<semaphore_mem>>
      %dma_start3A = arith.constant 0 : i32
      %dma_start3A_32 = tpu.memref_slice %arg3[%mul3A_2, %dma_start3A] : memref<2560x128xi32, #tpu.memory_space<hbm>> -> memref<80x128xi32, #tpu.memory_space<hbm>>
      %dma_start3A_33 = arith.constant 0 : i32
      %dma_start3A_34 = tpu.memref_slice %arg3[%mul3A_2, %dma_start3A_33] : memref<2560x128xi32, #tpu.memory_space<hbm>> -> memref<80x128xi32, #tpu.memory_space<hbm>>
      tpu.enqueue_dma source(%dma_start3A_34 : memref<80x128xi32, #tpu.memory_space<hbm>>) target(%arg7 : memref<80x128xi32, #tpu.memory_space<vmem>>) target_semaphore(%run_scoped3A : memref<!tpu.dma_semaphore, #tpu.memory_space<semaphore_mem>>)
      %dma_wait3A = arith.constant 0 : i32
      %dma_wait3A_35 = tpu.memref_slice %arg3[%mul3A_2, %dma_wait3A] : memref<2560x128xi32, #tpu.memory_space<hbm>> -> memref<80x128xi32, #tpu.memory_space<hbm>>
      %dma_wait3A_36 = arith.constant 0 : i32
      %dma_wait3A_37 = tpu.memref_slice %arg3[%mul3A_2, %dma_wait3A_36] : memref<2560x128xi32, #tpu.memory_space<hbm>> -> memref<80x128xi32, #tpu.memory_space<hbm>>
      tpu.wait_dma2 semaphore(%run_scoped3A : memref<!tpu.dma_semaphore, #tpu.memory_space<semaphore_mem>>) src(%dma_wait3A_37 : memref<80x128xi32, #tpu.memory_space<hbm>>) dst(%arg7 : memref<80x128xi32, #tpu.memory_space<vmem>>)
      tpu.yield
    }) : () -> ()
    %barrier3A = arith.constant 0 : index
    tpu.barrier barrier_id(%barrier3A)
    %add3A_5 = arith.constant 0 : i32
    %add3A_6 = arith.addi %mul3A_2, %add3A_5 : i32
    %lt3A = arith.constant 2500 : i32
    %lt3A_7 = arith.cmpi slt, %add3A_6, %lt3A : i32
    %convert_element_type3A = arith.extui %lt3A_7 : i1 to i32
    %cond3A = arith.constant 0 : i32
    %cond3A_8 = arith.cmpi ne, %convert_element_type3A, %cond3A : i32
    scf.if %cond3A_8 {
      %add3A_32 = arith.constant 0 : i32
      %add3A_33 = arith.addi %mul3A_2, %add3A_32 : i32
      %mul3A_34 = arith.constant 128 : i32
      %mul3A_35 = arith.muli %add3A_33, %mul3A_34 : i32
      %mul3A_36 = arith.constant 16 : i32
      %mul3A_37 = arith.muli %mul3A_35, %mul3A_36 : i32
      %dma_start3A = tpu.memref_slice %arg2[%mul3A_37] : memref<5120000xf32, #tpu.memory_space<hbm>> -> memref<2048xf32, #tpu.memory_space<hbm>>
      %dma_start3A_38 = tpu.memref_slice %arg2[%mul3A_37] : memref<5120000xf32, #tpu.memory_space<hbm>> -> memref<2048xf32, #tpu.memory_space<hbm>>
      tpu.enqueue_dma source(%dma_start3A_38 : memref<2048xf32, #tpu.memory_space<hbm>>) target(%arg8 : memref<2048xf32, #tpu.memory_space<vmem>>) target_semaphore(%arg13 : memref<!tpu.dma_semaphore, #tpu.memory_space<semaphore_mem>>)
    } else {
    }
    %scan3A = arith.constant 0 : i32
    %scan3A_9 = arith.constant 0 : i32
    %scan3A_10 = arith.constant 40 : i32
    %scan3A_11 = arith.addi %scan3A_9, %scan3A_10 : i32
    %scan3A_12 = arith.constant 1 : i32
    %scan3A_13 = scf.for %scan3A_32 = %scan3A_9 to %scan3A_11 step %scan3A_12 iter_args(%scan3A_33 = %scan3A) -> (i32)  : i32 {
      %mul3A_34 = arith.constant 2 : i32
      %mul3A_35 = arith.muli %mul3A_34, %scan3A_32 : i32
      %add3A_36 = arith.constant 0 : i32
      %add3A_37 = arith.addi %mul3A_35, %add3A_36 : i32
      %add3A_38 = arith.constant 1 : i32
      %add3A_39 = arith.addi %add3A_37, %add3A_38 : i32
      %lt3A_40 = arith.constant 80 : i32
      %lt3A_41 = arith.cmpi slt, %add3A_39, %lt3A_40 : i32
      %convert_element_type3A_42 = arith.extui %lt3A_41 : i1 to i32
      %cond3A_43 = arith.constant 0 : i32
      %cond3A_44 = arith.cmpi ne, %convert_element_type3A_42, %cond3A_43 : i32
      scf.if %cond3A_44 {
        %add3A_78 = arith.constant 1 : i32
        %add3A_79 = arith.addi %add3A_37, %add3A_78 : i32
        %add3A_80 = arith.addi %mul3A_2, %add3A_79 : i32
        %lt3A_81 = arith.constant 2500 : i32
        %lt3A_82 = arith.cmpi slt, %add3A_80, %lt3A_81 : i32
        %convert_element_type3A_83 = arith.extui %lt3A_82 : i1 to i32
        %cond3A_84 = arith.constant 0 : i32
        %cond3A_85 = arith.cmpi ne, %convert_element_type3A_83, %cond3A_84 : i32
        scf.if %cond3A_85 {
          %add3A_86 = arith.addi %mul3A_2, %add3A_79 : i32
          %mul3A_87 = arith.constant 128 : i32
          %mul3A_88 = arith.muli %add3A_86, %mul3A_87 : i32
          %mul3A_89 = arith.constant 16 : i32
          %mul3A_90 = arith.muli %mul3A_88, %mul3A_89 : i32
          %dma_start3A = tpu.memref_slice %arg2[%mul3A_90] : memref<5120000xf32, #tpu.memory_space<hbm>> -> memref<2048xf32, #tpu.memory_space<hbm>>
          %dma_start3A_91 = tpu.memref_slice %arg2[%mul3A_90] : memref<5120000xf32, #tpu.memory_space<hbm>> -> memref<2048xf32, #tpu.memory_space<hbm>>
          tpu.enqueue_dma source(%dma_start3A_91 : memref<2048xf32, #tpu.memory_space<hbm>>) target(%arg9 : memref<2048xf32, #tpu.memory_space<vmem>>) target_semaphore(%arg14 : memref<!tpu.dma_semaphore, #tpu.memory_space<semaphore_mem>>)
        } else {
        }
      } else {
      }
      %ge3A = arith.constant 2 : i32
      %ge3A_45 = arith.cmpi sge, %add3A_37, %ge3A : i32
      %convert_element_type3A_46 = arith.extui %ge3A_45 : i1 to i32
      %cond3A_47 = arith.constant 0 : i32
      %cond3A_48 = arith.cmpi ne, %convert_element_type3A_46, %cond3A_47 : i32
      scf.if %cond3A_48 {
        %sub3A = arith.constant 2 : i32
        %sub3A_78 = arith.subi %add3A_37, %sub3A : i32
        %add3A_79 = arith.addi %mul3A_2, %sub3A_78 : i32
        %lt3A_80 = arith.constant 2500 : i32
        %lt3A_81 = arith.cmpi slt, %add3A_79, %lt3A_80 : i32
        %convert_element_type3A_82 = arith.extui %lt3A_81 : i1 to i32
        %cond3A_83 = arith.constant 0 : i32
        %cond3A_84 = arith.cmpi ne, %convert_element_type3A_82, %cond3A_83 : i32
        scf.if %cond3A_84 {
          %dma_wait3A = arith.constant 0 : i32
          %dma_wait3A_85 = tpu.memref_slice %arg7[%sub3A_78, %dma_wait3A] : memref<80x128xi32, #tpu.memory_space<vmem>> -> memref<1x128xi32, #tpu.memory_space<vmem>>
          %dma_wait3A_86 = tpu.memref_squeeze %dma_wait3A_85 : memref<1x128xi32, #tpu.memory_space<vmem>> -> memref<128xi32, #tpu.memory_space<vmem>>
          %dma_wait3A_87 = arith.constant 0 : i32
          %dma_wait3A_88 = arith.constant 0 : i32
          %dma_wait3A_89 = tpu.memref_slice %arg12[%dma_wait3A_87, %dma_wait3A_88] : memref<10000x128xf32, #tpu.memory_space<vmem_shared>> -> memref<10000x128xf32, #tpu.memory_space<vmem_shared>>
          tpu.wait_indirect_dma semaphore(%arg15 : memref<!tpu.dma_semaphore, #tpu.memory_space<semaphore_mem>>) src(%arg10 : memref<128x128xf32, #tpu.memory_space<vmem>>) dst(%dma_wait3A_89 : memref<10000x128xf32, #tpu.memory_space<vmem_shared>>)
        } else {
        }
      } else {
      }
      %add3A_49 = arith.addi %mul3A_2, %add3A_37 : i32
      %lt3A_50 = arith.constant 2500 : i32
      %lt3A_51 = arith.cmpi slt, %add3A_49, %lt3A_50 : i32
      %convert_element_type3A_52 = arith.extui %lt3A_51 : i1 to i32
      %cond3A_53 = arith.constant 0 : i32
      %cond3A_54 = arith.cmpi ne, %convert_element_type3A_52, %cond3A_53 : i32
      scf.if %cond3A_54 {
        %add3A_78 = arith.addi %mul3A_2, %add3A_37 : i32
        %mul3A_79 = arith.constant 128 : i32
        %mul3A_80 = arith.muli %add3A_78, %mul3A_79 : i32
        %mul3A_81 = arith.constant 16 : i32
        %mul3A_82 = arith.muli %mul3A_80, %mul3A_81 : i32
        %dma_wait3A = tpu.memref_slice %arg2[%mul3A_82] : memref<5120000xf32, #tpu.memory_space<hbm>> -> memref<2048xf32, #tpu.memory_space<hbm>>
        %dma_wait3A_83 = tpu.memref_slice %arg2[%mul3A_82] : memref<5120000xf32, #tpu.memory_space<hbm>> -> memref<2048xf32, #tpu.memory_space<hbm>>
        tpu.wait_dma2 semaphore(%arg13 : memref<!tpu.dma_semaphore, #tpu.memory_space<semaphore_mem>>) src(%dma_wait3A_83 : memref<2048xf32, #tpu.memory_space<hbm>>) dst(%arg8 : memref<2048xf32, #tpu.memory_space<vmem>>)
        %scan3A_84 = arith.constant 0 : i32
        %scan3A_85 = arith.constant 0 : i32
        %scan3A_86 = arith.constant 128 : i32
        %scan3A_87 = arith.addi %scan3A_85, %scan3A_86 : i32
        %scan3A_88 = arith.constant 1 : i32
        %scan3A_89 = scf.for %scan3A_96 = %scan3A_85 to %scan3A_87 step %scan3A_88 iter_args(%scan3A_97 = %scan3A_84) -> (i32)  : i32 {
          %mul3A_98 = arith.constant 16 : i32
          %mul3A_99 = arith.muli %scan3A_96, %mul3A_98 : i32
          %get3A = arith.index_cast %mul3A_99 : i32 to index
          %get3A_100 = tpu.vector_load %arg8[%get3A] {strides = array<i32>} : memref<2048xf32, #tpu.memory_space<vmem>>, vector<16xf32>,
          %get3A_101 = vector.shape_cast %get3A_100 : vector<16xf32> to vector<16xf32>
          %swap3A = arith.index_cast %scan3A_96 : i32 to index
          %swap3A_102 = arith.constant 0 : index
          %swap3A_103 = tpu.vector_load %arg10[%swap3A, %swap3A_102] {strides = array<i32>} : memref<128x128xf32, #tpu.memory_space<vmem>>, vector<1x16xf32>,
          %swap3A_104 = vector.shape_cast %swap3A_103 : vector<1x16xf32> to vector<16xf32>
          %swap3A_105 = vector.shape_cast %get3A_101 : vector<16xf32> to vector<1x16xf32>
          tpu.vector_store %arg10[%swap3A, %swap3A_102], %swap3A_105 {strides = array<i32>} : memref<128x128xf32, #tpu.memory_space<vmem>>, vector<1x16xf32>,
          %scan3A_106 = arith.constant 0 : i32
          scf.yield %scan3A_106 : i32
        }
        %scan3A_90 = arith.constant 128 : i32
        %dma_start3A = arith.constant 0 : i32
        %dma_start3A_91 = tpu.memref_slice %arg7[%add3A_37, %dma_start3A] : memref<80x128xi32, #tpu.memory_space<vmem>> -> memref<1x128xi32, #tpu.memory_space<vmem>>
        %dma_start3A_92 = tpu.memref_squeeze %dma_start3A_91 : memref<1x128xi32, #tpu.memory_space<vmem>> -> memref<128xi32, #tpu.memory_space<vmem>>
        %dma_start3A_93 = arith.constant 0 : i32
        %dma_start3A_94 = arith.constant 0 : i32
        %dma_start3A_95 = tpu.memref_slice %arg12[%dma_start3A_93, %dma_start3A_94] : memref<10000x128xf32, #tpu.memory_space<vmem_shared>> -> memref<10000x128xf32, #tpu.memory_space<vmem_shared>>
        tpu.enqueue_indirect_dma source(%arg10 : memref<128x128xf32, #tpu.memory_space<vmem>>) target(%dma_start3A_95 : memref<10000x128xf32, #tpu.memory_space<vmem_shared>>) offsets(%dma_start3A_92 : memref<128xi32, #tpu.memory_space<vmem>>) semaphore(%arg15 : memref<!tpu.dma_semaphore, #tpu.memory_space<semaphore_mem>>) {add = true}
      } else {
      }
      %mul3A_55 = arith.constant 2 : i32
      %mul3A_56 = arith.muli %mul3A_55, %scan3A_32 : i32
      %add3A_57 = arith.constant 1 : i32
      %add3A_58 = arith.addi %mul3A_56, %add3A_57 : i32
      %add3A_59 = arith.constant 1 : i32
      %add3A_60 = arith.addi %add3A_58, %add3A_59 : i32
      %lt3A_61 = arith.constant 80 : i32
      %lt3A_62 = arith.cmpi slt, %add3A_60, %lt3A_61 : i32
      %convert_element_type3A_63 = arith.extui %lt3A_62 : i1 to i32
      %cond3A_64 = arith.constant 0 : i32
      %cond3A_65 = arith.cmpi ne, %convert_element_type3A_63, %cond3A_64 : i32
      scf.if %cond3A_65 {
        %add3A_78 = arith.constant 1 : i32
        %add3A_79 = arith.addi %add3A_58, %add3A_78 : i32
        %add3A_80 = arith.addi %mul3A_2, %add3A_79 : i32
        %lt3A_81 = arith.constant 2500 : i32
        %lt3A_82 = arith.cmpi slt, %add3A_80, %lt3A_81 : i32
        %convert_element_type3A_83 = arith.extui %lt3A_82 : i1 to i32
        %cond3A_84 = arith.constant 0 : i32
        %cond3A_85 = arith.cmpi ne, %convert_element_type3A_83, %cond3A_84 : i32
        scf.if %cond3A_85 {
          %add3A_86 = arith.addi %mul3A_2, %add3A_79 : i32
          %mul3A_87 = arith.constant 128 : i32
          %mul3A_88 = arith.muli %add3A_86, %mul3A_87 : i32
          %mul3A_89 = arith.constant 16 : i32
          %mul3A_90 = arith.muli %mul3A_88, %mul3A_89 : i32
          %dma_start3A = tpu.memref_slice %arg2[%mul3A_90] : memref<5120000xf32, #tpu.memory_space<hbm>> -> memref<2048xf32, #tpu.memory_space<hbm>>
          %dma_start3A_91 = tpu.memref_slice %arg2[%mul3A_90] : memref<5120000xf32, #tpu.memory_space<hbm>> -> memref<2048xf32, #tpu.memory_space<hbm>>
          tpu.enqueue_dma source(%dma_start3A_91 : memref<2048xf32, #tpu.memory_space<hbm>>) target(%arg8 : memref<2048xf32, #tpu.memory_space<vmem>>) target_semaphore(%arg13 : memref<!tpu.dma_semaphore, #tpu.memory_space<semaphore_mem>>)
        } else {
        }
      } else {
      }
      %ge3A_66 = arith.constant 2 : i32
      %ge3A_67 = arith.cmpi sge, %add3A_58, %ge3A_66 : i32
      %convert_element_type3A_68 = arith.extui %ge3A_67 : i1 to i32
      %cond3A_69 = arith.constant 0 : i32
      %cond3A_70 = arith.cmpi ne, %convert_element_type3A_68, %cond3A_69 : i32
      scf.if %cond3A_70 {
        %sub3A = arith.constant 2 : i32
        %sub3A_78 = arith.subi %add3A_58, %sub3A : i32
        %add3A_79 = arith.addi %mul3A_2, %sub3A_78 : i32
        %lt3A_80 = arith.constant 2500 : i32
        %lt3A_81 = arith.cmpi slt, %add3A_79, %lt3A_80 : i32
        %convert_element_type3A_82 = arith.extui %lt3A_81 : i1 to i32
        %cond3A_83 = arith.constant 0 : i32
        %cond3A_84 = arith.cmpi ne, %convert_element_type3A_82, %cond3A_83 : i32
        scf.if %cond3A_84 {
          %dma_wait3A = arith.constant 0 : i32
          %dma_wait3A_85 = tpu.memref_slice %arg7[%sub3A_78, %dma_wait3A] : memref<80x128xi32, #tpu.memory_space<vmem>> -> memref<1x128xi32, #tpu.memory_space<vmem>>
          %dma_wait3A_86 = tpu.memref_squeeze %dma_wait3A_85 : memref<1x128xi32, #tpu.memory_space<vmem>> -> memref<128xi32, #tpu.memory_space<vmem>>
          %dma_wait3A_87 = arith.constant 0 : i32
          %dma_wait3A_88 = arith.constant 0 : i32
          %dma_wait3A_89 = tpu.memref_slice %arg12[%dma_wait3A_87, %dma_wait3A_88] : memref<10000x128xf32, #tpu.memory_space<vmem_shared>> -> memref<10000x128xf32, #tpu.memory_space<vmem_shared>>
          tpu.wait_indirect_dma semaphore(%arg16 : memref<!tpu.dma_semaphore, #tpu.memory_space<semaphore_mem>>) src(%arg11 : memref<128x128xf32, #tpu.memory_space<vmem>>) dst(%dma_wait3A_89 : memref<10000x128xf32, #tpu.memory_space<vmem_shared>>)
        } else {
        }
      } else {
      }
      %add3A_71 = arith.addi %mul3A_2, %add3A_58 : i32
      %lt3A_72 = arith.constant 2500 : i32
      %lt3A_73 = arith.cmpi slt, %add3A_71, %lt3A_72 : i32
      %convert_element_type3A_74 = arith.extui %lt3A_73 : i1 to i32
      %cond3A_75 = arith.constant 0 : i32
      %cond3A_76 = arith.cmpi ne, %convert_element_type3A_74, %cond3A_75 : i32
      scf.if %cond3A_76 {
        %add3A_78 = arith.addi %mul3A_2, %add3A_58 : i32
        %mul3A_79 = arith.constant 128 : i32
        %mul3A_80 = arith.muli %add3A_78, %mul3A_79 : i32
        %mul3A_81 = arith.constant 16 : i32
        %mul3A_82 = arith.muli %mul3A_80, %mul3A_81 : i32
        %dma_wait3A = tpu.memref_slice %arg2[%mul3A_82] : memref<5120000xf32, #tpu.memory_space<hbm>> -> memref<2048xf32, #tpu.memory_space<hbm>>
        %dma_wait3A_83 = tpu.memref_slice %arg2[%mul3A_82] : memref<5120000xf32, #tpu.memory_space<hbm>> -> memref<2048xf32, #tpu.memory_space<hbm>>
        tpu.wait_dma2 semaphore(%arg14 : memref<!tpu.dma_semaphore, #tpu.memory_space<semaphore_mem>>) src(%dma_wait3A_83 : memref<2048xf32, #tpu.memory_space<hbm>>) dst(%arg9 : memref<2048xf32, #tpu.memory_space<vmem>>)
        %scan3A_84 = arith.constant 0 : i32
        %scan3A_85 = arith.constant 0 : i32
        %scan3A_86 = arith.constant 128 : i32
        %scan3A_87 = arith.addi %scan3A_85, %scan3A_86 : i32
        %scan3A_88 = arith.constant 1 : i32
        %scan3A_89 = scf.for %scan3A_96 = %scan3A_85 to %scan3A_87 step %scan3A_88 iter_args(%scan3A_97 = %scan3A_84) -> (i32)  : i32 {
          %mul3A_98 = arith.constant 16 : i32
          %mul3A_99 = arith.muli %scan3A_96, %mul3A_98 : i32
          %get3A = arith.index_cast %mul3A_99 : i32 to index
          %get3A_100 = tpu.vector_load %arg9[%get3A] {strides = array<i32>} : memref<2048xf32, #tpu.memory_space<vmem>>, vector<16xf32>,
          %get3A_101 = vector.shape_cast %get3A_100 : vector<16xf32> to vector<16xf32>
          %swap3A = arith.index_cast %scan3A_96 : i32 to index
          %swap3A_102 = arith.constant 0 : index
          %swap3A_103 = tpu.vector_load %arg11[%swap3A, %swap3A_102] {strides = array<i32>} : memref<128x128xf32, #tpu.memory_space<vmem>>, vector<1x16xf32>,
          %swap3A_104 = vector.shape_cast %swap3A_103 : vector<1x16xf32> to vector<16xf32>
          %swap3A_105 = vector.shape_cast %get3A_101 : vector<16xf32> to vector<1x16xf32>
          tpu.vector_store %arg11[%swap3A, %swap3A_102], %swap3A_105 {strides = array<i32>} : memref<128x128xf32, #tpu.memory_space<vmem>>, vector<1x16xf32>,
          %scan3A_106 = arith.constant 0 : i32
          scf.yield %scan3A_106 : i32
        }
        %scan3A_90 = arith.constant 128 : i32
        %dma_start3A = arith.constant 0 : i32
        %dma_start3A_91 = tpu.memref_slice %arg7[%add3A_58, %dma_start3A] : memref<80x128xi32, #tpu.memory_space<vmem>> -> memref<1x128xi32, #tpu.memory_space<vmem>>
        %dma_start3A_92 = tpu.memref_squeeze %dma_start3A_91 : memref<1x128xi32, #tpu.memory_space<vmem>> -> memref<128xi32, #tpu.memory_space<vmem>>
        %dma_start3A_93 = arith.constant 0 : i32
        %dma_start3A_94 = arith.constant 0 : i32
        %dma_start3A_95 = tpu.memref_slice %arg12[%dma_start3A_93, %dma_start3A_94] : memref<10000x128xf32, #tpu.memory_space<vmem_shared>> -> memref<10000x128xf32, #tpu.memory_space<vmem_shared>>
        tpu.enqueue_indirect_dma source(%arg11 : memref<128x128xf32, #tpu.memory_space<vmem>>) target(%dma_start3A_95 : memref<10000x128xf32, #tpu.memory_space<vmem_shared>>) offsets(%dma_start3A_92 : memref<128xi32, #tpu.memory_space<vmem>>) semaphore(%arg16 : memref<!tpu.dma_semaphore, #tpu.memory_space<semaphore_mem>>) {add = true}
      } else {
      }
      %scan3A_77 = arith.constant 0 : i32
      scf.yield %scan3A_77 : i32
    }
    %scan3A_14 = arith.constant 40 : i32
    %add3A_15 = arith.constant 78 : i32
    %add3A_16 = arith.addi %mul3A_2, %add3A_15 : i32
    %lt3A_17 = arith.constant 2500 : i32
    %lt3A_18 = arith.cmpi slt, %add3A_16, %lt3A_17 : i32
    %convert_element_type3A_19 = arith.extui %lt3A_18 : i1 to i32
    %cond3A_20 = arith.constant 0 : i32
    %cond3A_21 = arith.cmpi ne, %convert_element_type3A_19, %cond3A_20 : i32
    scf.if %cond3A_21 {
      %dma_wait3A = arith.constant 78 : i32
      %dma_wait3A_32 = arith.constant 0 : i32
      %dma_wait3A_33 = tpu.memref_slice %arg7[%dma_wait3A, %dma_wait3A_32] : memref<80x128xi32, #tpu.memory_space<vmem>> -> memref<1x128xi32, #tpu.memory_space<vmem>>
      %dma_wait3A_34 = tpu.memref_squeeze %dma_wait3A_33 : memref<1x128xi32, #tpu.memory_space<vmem>> -> memref<128xi32, #tpu.memory_space<vmem>>
      %dma_wait3A_35 = arith.constant 0 : i32
      %dma_wait3A_36 = arith.constant 0 : i32
      %dma_wait3A_37 = tpu.memref_slice %arg12[%dma_wait3A_35, %dma_wait3A_36] : memref<10000x128xf32, #tpu.memory_space<vmem_shared>> -> memref<10000x128xf32, #tpu.memory_space<vmem_shared>>
      tpu.wait_indirect_dma semaphore(%arg15 : memref<!tpu.dma_semaphore, #tpu.memory_space<semaphore_mem>>) src(%arg10 : memref<128x128xf32, #tpu.memory_space<vmem>>) dst(%dma_wait3A_37 : memref<10000x128xf32, #tpu.memory_space<vmem_shared>>)
    } else {
    }
    %add3A_22 = arith.constant 79 : i32
    %add3A_23 = arith.addi %mul3A_2, %add3A_22 : i32
    %lt3A_24 = arith.constant 2500 : i32
    %lt3A_25 = arith.cmpi slt, %add3A_23, %lt3A_24 : i32
    %convert_element_type3A_26 = arith.extui %lt3A_25 : i1 to i32
    %cond3A_27 = arith.constant 0 : i32
    %cond3A_28 = arith.cmpi ne, %convert_element_type3A_26, %cond3A_27 : i32
    scf.if %cond3A_28 {
      %dma_wait3A = arith.constant 79 : i32
      %dma_wait3A_32 = arith.constant 0 : i32
      %dma_wait3A_33 = tpu.memref_slice %arg7[%dma_wait3A, %dma_wait3A_32] : memref<80x128xi32, #tpu.memory_space<vmem>> -> memref<1x128xi32, #tpu.memory_space<vmem>>
      %dma_wait3A_34 = tpu.memref_squeeze %dma_wait3A_33 : memref<1x128xi32, #tpu.memory_space<vmem>> -> memref<128xi32, #tpu.memory_space<vmem>>
      %dma_wait3A_35 = arith.constant 0 : i32
      %dma_wait3A_36 = arith.constant 0 : i32
      %dma_wait3A_37 = tpu.memref_slice %arg12[%dma_wait3A_35, %dma_wait3A_36] : memref<10000x128xf32, #tpu.memory_space<vmem_shared>> -> memref<10000x128xf32, #tpu.memory_space<vmem_shared>>
      tpu.wait_indirect_dma semaphore(%arg16 : memref<!tpu.dma_semaphore, #tpu.memory_space<semaphore_mem>>) src(%arg11 : memref<128x128xf32, #tpu.memory_space<vmem>>) dst(%dma_wait3A_37 : memref<10000x128xf32, #tpu.memory_space<vmem_shared>>)
    } else {
    }
    %barrier3A_29 = arith.constant 0 : index
    tpu.barrier barrier_id(%barrier3A_29)
    %mul3A_30 = arith.constant 625 : i32
    %mul3A_31 = arith.muli %arg1, %mul3A_30 : i32
    "tpu.region"() ({
      %run_scoped3A = tpu.sem_alloc : memref<!tpu.dma_semaphore, #tpu.memory_space<semaphore_mem>>
      %dma_start3A = arith.constant 0 : i32
      %dma_start3A_32 = arith.constant 0 : i32
      %dma_start3A_33 = tpu.memref_slice %arg6[%arg0, %arg1, %dma_start3A, %dma_start3A_32] : memref<2x16x625x128xf32, #tpu.memory_space<hbm>> -> memref<1x1x625x128xf32, #tpu.memory_space<hbm>>
      %dma_start3A_34 = tpu.memref_squeeze %dma_start3A_33 : memref<1x1x625x128xf32, #tpu.memory_space<hbm>> -> memref<625x128xf32, #tpu.memory_space<hbm>>
      %dma_start3A_35 = arith.constant 0 : i32
      %dma_start3A_36 = tpu.memref_slice %arg12[%mul3A_31, %dma_start3A_35] : memref<10000x128xf32, #tpu.memory_space<vmem_shared>> -> memref<625x128xf32, #tpu.memory_space<vmem_shared>>
      tpu.enqueue_dma source(%dma_start3A_36 : memref<625x128xf32, #tpu.memory_space<vmem_shared>>) target(%dma_start3A_34 : memref<625x128xf32, #tpu.memory_space<hbm>>) target_semaphore(%run_scoped3A : memref<!tpu.dma_semaphore, #tpu.memory_space<semaphore_mem>>)
      %dma_wait3A = arith.constant 0 : i32
      %dma_wait3A_37 = arith.constant 0 : i32
      %dma_wait3A_38 = tpu.memref_slice %arg6[%arg0, %arg1, %dma_wait3A, %dma_wait3A_37] : memref<2x16x625x128xf32, #tpu.memory_space<hbm>> -> memref<1x1x625x128xf32, #tpu.memory_space<hbm>>
      %dma_wait3A_39 = tpu.memref_squeeze %dma_wait3A_38 : memref<1x1x625x128xf32, #tpu.memory_space<hbm>> -> memref<625x128xf32, #tpu.memory_space<hbm>>
      %dma_wait3A_40 = arith.constant 0 : i32
      %dma_wait3A_41 = tpu.memref_slice %arg12[%mul3A_31, %dma_wait3A_40] : memref<10000x128xf32, #tpu.memory_space<vmem_shared>> -> memref<625x128xf32, #tpu.memory_space<vmem_shared>>
      tpu.wait_dma2 semaphore(%run_scoped3A : memref<!tpu.dma_semaphore, #tpu.memory_space<semaphore_mem>>) src(%dma_wait3A_41 : memref<625x128xf32, #tpu.memory_space<vmem_shared>>) dst(%dma_wait3A_39 : memref<625x128xf32, #tpu.memory_space<hbm>>)
      tpu.yield
    }) : () -> ()
    return
  }
}

module attributes {stable_mosaic.version = 14 : i64} {
  func.func @_proj_body(%arg0: i32, %arg1: memref<1000x128xf32, #tpu.memory_space<vmem>>, %arg2: memref<128x128xf32, #tpu.memory_space<vmem>>, %arg3: memref<128x128xf32, #tpu.memory_space<vmem>>, %arg4: memref<1x128xf32, #tpu.memory_space<vmem>>, %arg5: memref<1000x128xf32, #tpu.memory_space<vmem>>, %arg6: memref<1000x128xf32, #tpu.memory_space<vmem>>) attributes {dimension_semantics = [#tpu.dimension_semantics<arbitrary>], iteration_bounds = array<i64: 10>, scalar_prefetch = 0 : i64, scratch_operands = 0 : i64, tpu.core_type = #tpu.core_type<tc>, window_params = [{transform_indices = @transform_0, window_bounds = array<i64: 1000, 128>}, {pipeline_mode = #tpu.pipeline_mode<synchronous>, transform_indices = @transform_1, window_bounds = array<i64: 128, 128>}, {pipeline_mode = #tpu.pipeline_mode<synchronous>, transform_indices = @transform_2, window_bounds = array<i64: 128, 128>}, {pipeline_mode = #tpu.pipeline_mode<synchronous>, transform_indices = @transform_3, window_bounds = array<i64: 1, 128>}, {transform_indices = @transform_4, window_bounds = array<i64: 1000, 128>}, {transform_indices = @transform_5, window_bounds = array<i64: 1000, 128>}]} {
    %get3A = arith.constant 0 : index
    %get3A_0 = arith.constant 0 : index
    %get3A_1 = vector.load %arg1[%get3A, %get3A_0] : memref<1000x128xf32, #tpu.memory_space<vmem>>, vector<1000x128xf32>
    %get3A_2 = arith.constant 0 : index
    %get3A_3 = arith.constant 0 : index
    %get3A_4 = vector.load %arg2[%get3A_2, %get3A_3] : memref<128x128xf32, #tpu.memory_space<vmem>>, vector<128x128xf32>
    %dot_general3A = arith.constant dense<0.000000e+00> : vector<1000x128xf32>
    %dot_general3A_5 = tpu.matmul %get3A_1, %get3A_4, %dot_general3A {dimension_numbers = #tpu.dot_dimension_numbers<[1], [0], [0], [1], [0, 0, 1, 1], [], []>, transpose_lhs_hint = false} : vector<1000x128xf32>, vector<128x128xf32>, vector<1000x128xf32> -> vector<1000x128xf32>
    %get3A_6 = arith.constant 0 : index
    %get3A_7 = arith.constant 0 : index
    %get3A_8 = vector.load %arg4[%get3A_6, %get3A_7] : memref<1x128xf32, #tpu.memory_space<vmem>>, vector<1x128xf32>
    %add3A = vector.broadcast %get3A_8 : vector<1x128xf32> to vector<1000x128xf32>
    %add3A_9 = arith.addf %dot_general3A_5, %add3A : vector<1000x128xf32>
    %swap3A = arith.constant 0 : index
    %swap3A_10 = arith.constant 0 : index
    %swap3A_11 = vector.load %arg5[%swap3A, %swap3A_10] : memref<1000x128xf32, #tpu.memory_space<vmem>>, vector<1000x128xf32>
    tpu.vector_store %arg5[%swap3A, %swap3A_10], %add3A_9 {strides = array<i32>} : memref<1000x128xf32, #tpu.memory_space<vmem>>, vector<1000x128xf32>,
    %get3A_12 = arith.constant 0 : index
    %get3A_13 = arith.constant 0 : index
    %get3A_14 = vector.load %arg3[%get3A_12, %get3A_13] : memref<128x128xf32, #tpu.memory_space<vmem>>, vector<128x128xf32>
    %dot_general3A_15 = arith.constant dense<0.000000e+00> : vector<1000x128xf32>
    %dot_general3A_16 = tpu.matmul %get3A_1, %get3A_14, %dot_general3A_15 {dimension_numbers = #tpu.dot_dimension_numbers<[1], [0], [0], [1], [0, 0, 1, 1], [], []>, transpose_lhs_hint = false} : vector<1000x128xf32>, vector<128x128xf32>, vector<1000x128xf32> -> vector<1000x128xf32>
    %swap3A_17 = arith.constant 0 : index
    %swap3A_18 = arith.constant 0 : index
    %swap3A_19 = vector.load %arg6[%swap3A_17, %swap3A_18] : memref<1000x128xf32, #tpu.memory_space<vmem>>, vector<1000x128xf32>
    tpu.vector_store %arg6[%swap3A_17, %swap3A_18], %dot_general3A_16 {strides = array<i32>} : memref<1000x128xf32, #tpu.memory_space<vmem>>, vector<1000x128xf32>,
    return
  }
  func.func @transform_0(%arg0: i32) -> (i32, i32) {
    %c0_i32 = arith.constant 0 : i32
    %c0_i32_0 = arith.constant 0 : i32
    return %arg0, %c0_i32 : i32, i32
  }
  func.func @transform_1(%arg0: i32) -> (i32, i32) {
    %c0_i32 = arith.constant 0 : i32
    %c0_i32_0 = arith.constant 0 : i32
    %c0_i32_1 = arith.constant 0 : i32
    return %c0_i32, %c0_i32_0 : i32, i32
  }
  func.func @transform_2(%arg0: i32) -> (i32, i32) {
    %c0_i32 = arith.constant 0 : i32
    %c0_i32_0 = arith.constant 0 : i32
    %c0_i32_1 = arith.constant 0 : i32
    return %c0_i32, %c0_i32_0 : i32, i32
  }
  func.func @transform_3(%arg0: i32) -> (i32, i32) {
    %c0_i32 = arith.constant 0 : i32
    %c0_i32_0 = arith.constant 0 : i32
    %c0_i32_1 = arith.constant 0 : i32
    return %c0_i32, %c0_i32_0 : i32, i32
  }
  func.func @transform_4(%arg0: i32) -> (i32, i32) {
    %c0_i32 = arith.constant 0 : i32
    %c0_i32_0 = arith.constant 0 : i32
    return %arg0, %c0_i32 : i32, i32
  }
  func.func @transform_5(%arg0: i32) -> (i32, i32) {
    %c0_i32 = arith.constant 0 : i32
    %c0_i32_0 = arith.constant 0 : i32
    return %arg0, %c0_i32 : i32, i32
  }
}

module attributes {stable_mosaic.version = 14 : i64} {
  func.func @_edge_mlp_body(%arg0: i32, %arg1: memref<512x128xf32, #tpu.memory_space<vmem>>, %arg2: memref<512x16xf32, #tpu.memory_space<vmem>>, %arg3: memref<16x128xf32, #tpu.memory_space<vmem>>, %arg4: memref<128x16xf32, #tpu.memory_space<vmem>>, %arg5: memref<1x16xf32, #tpu.memory_space<vmem>>, %arg6: memref<512x16xf32, #tpu.memory_space<vmem>>) attributes {dimension_semantics = [#tpu.dimension_semantics<arbitrary>], iteration_bounds = array<i64: 625>, scalar_prefetch = 0 : i64, scratch_operands = 0 : i64, tpu.core_type = #tpu.core_type<tc>, window_params = [{transform_indices = @transform_0, window_bounds = array<i64: 512, 128>}, {transform_indices = @transform_1, window_bounds = array<i64: 512, 16>}, {pipeline_mode = #tpu.pipeline_mode<synchronous>, transform_indices = @transform_2, window_bounds = array<i64: 16, 128>}, {pipeline_mode = #tpu.pipeline_mode<synchronous>, transform_indices = @transform_3, window_bounds = array<i64: 128, 16>}, {pipeline_mode = #tpu.pipeline_mode<synchronous>, transform_indices = @transform_4, window_bounds = array<i64: 1, 16>}, {transform_indices = @transform_5, window_bounds = array<i64: 512, 16>}]} {
    %get3A = arith.constant 0 : index
    %get3A_0 = arith.constant 0 : index
    %get3A_1 = vector.load %arg2[%get3A, %get3A_0] : memref<512x16xf32, #tpu.memory_space<vmem>>, vector<512x16xf32>
    %get3A_2 = arith.constant 0 : index
    %get3A_3 = arith.constant 0 : index
    %get3A_4 = vector.load %arg1[%get3A_2, %get3A_3] : memref<512x128xf32, #tpu.memory_space<vmem>>, vector<512x128xf32>
    %get3A_5 = arith.constant 0 : index
    %get3A_6 = arith.constant 0 : index
    %get3A_7 = vector.load %arg3[%get3A_5, %get3A_6] : memref<16x128xf32, #tpu.memory_space<vmem>>, vector<16x128xf32>
    %dot_general3A = arith.constant dense<0.000000e+00> : vector<512x128xf32>
    %dot_general3A_8 = tpu.matmul %get3A_1, %get3A_7, %dot_general3A {dimension_numbers = #tpu.dot_dimension_numbers<[1], [0], [0], [1], [0, 0, 1, 1], [], []>, transpose_lhs_hint = false} : vector<512x16xf32>, vector<16x128xf32>, vector<512x128xf32> -> vector<512x128xf32>
    %add3A = arith.addf %get3A_4, %dot_general3A_8 : vector<512x128xf32>
    %logistic3A = arith.negf %add3A : vector<512x128xf32>
    %logistic3A_9 = math.exp %logistic3A : vector<512x128xf32>
    %logistic3A_10 = arith.constant 1.000000e+00 : f32
    %logistic3A_11 = vector.broadcast %logistic3A_10 : f32 to vector<512x128xf32>
    %logistic3A_12 = arith.addf %logistic3A_11, %logistic3A_9 : vector<512x128xf32>
    %logistic3A_13 = arith.divf %logistic3A_11, %logistic3A_12 : vector<512x128xf32>
    %mul3A = arith.mulf %add3A, %logistic3A_13 : vector<512x128xf32>
    %get3A_14 = arith.constant 0 : index
    %get3A_15 = arith.constant 0 : index
    %get3A_16 = vector.load %arg4[%get3A_14, %get3A_15] : memref<128x16xf32, #tpu.memory_space<vmem>>, vector<128x16xf32>
    %dot_general3A_17 = arith.constant dense<0.000000e+00> : vector<512x16xf32>
    %dot_general3A_18 = tpu.matmul %mul3A, %get3A_16, %dot_general3A_17 {dimension_numbers = #tpu.dot_dimension_numbers<[1], [0], [0], [1], [0, 0, 1, 1], [], []>, transpose_lhs_hint = false} : vector<512x128xf32>, vector<128x16xf32>, vector<512x16xf32> -> vector<512x16xf32>
    %get3A_19 = arith.constant 0 : index
    %get3A_20 = arith.constant 0 : index
    %get3A_21 = vector.load %arg5[%get3A_19, %get3A_20] : memref<1x16xf32, #tpu.memory_space<vmem>>, vector<1x16xf32>
    %add3A_22 = vector.broadcast %get3A_21 : vector<1x16xf32> to vector<512x16xf32>
    %add3A_23 = arith.addf %dot_general3A_18, %add3A_22 : vector<512x16xf32>
    %logistic3A_24 = arith.negf %add3A_23 : vector<512x16xf32>
    %logistic3A_25 = math.exp %logistic3A_24 : vector<512x16xf32>
    %logistic3A_26 = arith.constant 1.000000e+00 : f32
    %logistic3A_27 = vector.broadcast %logistic3A_26 : f32 to vector<512x16xf32>
    %logistic3A_28 = arith.addf %logistic3A_27, %logistic3A_25 : vector<512x16xf32>
    %logistic3A_29 = arith.divf %logistic3A_27, %logistic3A_28 : vector<512x16xf32>
    %mul3A_30 = arith.mulf %add3A_23, %logistic3A_29 : vector<512x16xf32>
    %add3A_31 = arith.addf %mul3A_30, %get3A_1 : vector<512x16xf32>
    %swap3A = arith.constant 0 : index
    %swap3A_32 = arith.constant 0 : index
    %swap3A_33 = vector.load %arg6[%swap3A, %swap3A_32] : memref<512x16xf32, #tpu.memory_space<vmem>>, vector<512x16xf32>
    tpu.vector_store %arg6[%swap3A, %swap3A_32], %add3A_31 {strides = array<i32>} : memref<512x16xf32, #tpu.memory_space<vmem>>, vector<512x16xf32>,
    return
  }
  func.func @transform_0(%arg0: i32) -> (i32, i32) {
    %c0_i32 = arith.constant 0 : i32
    %c0_i32_0 = arith.constant 0 : i32
    return %arg0, %c0_i32 : i32, i32
  }
  func.func @transform_1(%arg0: i32) -> (i32, i32) {
    %c0_i32 = arith.constant 0 : i32
    %c0_i32_0 = arith.constant 0 : i32
    return %arg0, %c0_i32 : i32, i32
  }
  func.func @transform_2(%arg0: i32) -> (i32, i32) {
    %c0_i32 = arith.constant 0 : i32
    %c0_i32_0 = arith.constant 0 : i32
    %c0_i32_1 = arith.constant 0 : i32
    return %c0_i32, %c0_i32_0 : i32, i32
  }
  func.func @transform_3(%arg0: i32) -> (i32, i32) {
    %c0_i32 = arith.constant 0 : i32
    %c0_i32_0 = arith.constant 0 : i32
    %c0_i32_1 = arith.constant 0 : i32
    return %c0_i32, %c0_i32_0 : i32, i32
  }
  func.func @transform_4(%arg0: i32) -> (i32, i32) {
    %c0_i32 = arith.constant 0 : i32
    %c0_i32_0 = arith.constant 0 : i32
    %c0_i32_1 = arith.constant 0 : i32
    return %c0_i32, %c0_i32_0 : i32, i32
  }
  func.func @transform_5(%arg0: i32) -> (i32, i32) {
    %c0_i32 = arith.constant 0 : i32
    %c0_i32_0 = arith.constant 0 : i32
    return %arg0, %c0_i32 : i32, i32
  }
}

module attributes {stable_mosaic.version = 14 : i64} {
  func.func @_node_mlp_body(%arg0: i32, %arg1: memref<1000x128xf32, #tpu.memory_space<vmem>>, %arg2: memref<1000x128xf32, #tpu.memory_space<vmem>>, %arg3: memref<1000x128xf32, #tpu.memory_space<vmem>>, %arg4: memref<16x128xf32, #tpu.memory_space<vmem>>, %arg5: memref<128x128xf32, #tpu.memory_space<vmem>>, %arg6: memref<1x128xf32, #tpu.memory_space<vmem>>, %arg7: memref<128x128xf32, #tpu.memory_space<vmem>>, %arg8: memref<1x128xf32, #tpu.memory_space<vmem>>, %arg9: memref<1000x128xf32, #tpu.memory_space<vmem>>) attributes {dimension_semantics = [#tpu.dimension_semantics<arbitrary>], iteration_bounds = array<i64: 10>, scalar_prefetch = 0 : i64, scratch_operands = 0 : i64, tpu.core_type = #tpu.core_type<tc>, window_params = [{transform_indices = @transform_0, window_bounds = array<i64: 1000, 128>}, {transform_indices = @transform_1, window_bounds = array<i64: 1000, 128>}, {transform_indices = @transform_2, window_bounds = array<i64: 1000, 128>}, {pipeline_mode = #tpu.pipeline_mode<synchronous>, transform_indices = @transform_3, window_bounds = array<i64: 16, 128>}, {pipeline_mode = #tpu.pipeline_mode<synchronous>, transform_indices = @transform_4, window_bounds = array<i64: 128, 128>}, {pipeline_mode = #tpu.pipeline_mode<synchronous>, transform_indices = @transform_5, window_bounds = array<i64: 1, 128>}, {pipeline_mode = #tpu.pipeline_mode<synchronous>, transform_indices = @transform_6, window_bounds = array<i64: 128, 128>}, {pipeline_mode = #tpu.pipeline_mode<synchronous>, transform_indices = @transform_7, window_bounds = array<i64: 1, 128>}, {transform_indices = @transform_8, window_bounds = array<i64: 1000, 128>}]} {
    %get3A = arith.constant 0 : index
    %get3A_0 = arith.constant 0 : index
    %get3A_1 = vector.load %arg1[%get3A, %get3A_0] : memref<1000x128xf32, #tpu.memory_space<vmem>>, vector<1000x128xf32>
    %get3A_2 = arith.constant 0 : index
    %get3A_3 = arith.constant 0 : index
    %get3A_4 = vector.load %arg2[%get3A_2, %get3A_3] : memref<1000x128xf32, #tpu.memory_space<vmem>>, vector<1000x128xf32>
    %add3A = arith.addf %get3A_1, %get3A_4 : vector<1000x128xf32>
    %slice3A = vector.extract_strided_slice %add3A {offsets = [0, 16], sizes = [1000, 1], strides = [1, 1]} : vector<1000x128xf32> to vector<1000x1xf32>
    %max3A = arith.constant 1.000000e+00 : f32
    %max3A_5 = vector.broadcast %max3A : f32 to vector<1000x1xf32>
    %max3A_6 = arith.maximumf %slice3A, %max3A_5 : vector<1000x1xf32>
    %slice3A_7 = vector.extract_strided_slice %add3A {offsets = [0, 0], sizes = [1000, 16], strides = [1, 1]} : vector<1000x128xf32> to vector<1000x16xf32>
    %div3A = vector.broadcast %max3A_6 : vector<1000x1xf32> to vector<1000x16xf32>
    %div3A_8 = arith.divf %slice3A_7, %div3A : vector<1000x16xf32>
    %get3A_9 = arith.constant 0 : index
    %get3A_10 = arith.constant 0 : index
    %get3A_11 = vector.load %arg3[%get3A_9, %get3A_10] : memref<1000x128xf32, #tpu.memory_space<vmem>>, vector<1000x128xf32>
    %get3A_12 = arith.constant 0 : index
    %get3A_13 = arith.constant 0 : index
    %get3A_14 = vector.load %arg4[%get3A_12, %get3A_13] : memref<16x128xf32, #tpu.memory_space<vmem>>, vector<16x128xf32>
    %dot_general3A = arith.constant dense<0.000000e+00> : vector<1000x128xf32>
    %dot_general3A_15 = tpu.matmul %div3A_8, %get3A_14, %dot_general3A {dimension_numbers = #tpu.dot_dimension_numbers<[1], [0], [0], [1], [0, 0, 1, 1], [], []>, transpose_lhs_hint = false} : vector<1000x16xf32>, vector<16x128xf32>, vector<1000x128xf32> -> vector<1000x128xf32>
    %get3A_16 = arith.constant 0 : index
    %get3A_17 = arith.constant 0 : index
    %get3A_18 = vector.load %arg5[%get3A_16, %get3A_17] : memref<128x128xf32, #tpu.memory_space<vmem>>, vector<128x128xf32>
    %dot_general3A_19 = arith.constant dense<0.000000e+00> : vector<1000x128xf32>
    %dot_general3A_20 = tpu.matmul %get3A_11, %get3A_18, %dot_general3A_19 {dimension_numbers = #tpu.dot_dimension_numbers<[1], [0], [0], [1], [0, 0, 1, 1], [], []>, transpose_lhs_hint = false} : vector<1000x128xf32>, vector<128x128xf32>, vector<1000x128xf32> -> vector<1000x128xf32>
    %add3A_21 = arith.addf %dot_general3A_15, %dot_general3A_20 : vector<1000x128xf32>
    %get3A_22 = arith.constant 0 : index
    %get3A_23 = arith.constant 0 : index
    %get3A_24 = vector.load %arg6[%get3A_22, %get3A_23] : memref<1x128xf32, #tpu.memory_space<vmem>>, vector<1x128xf32>
    %add3A_25 = vector.broadcast %get3A_24 : vector<1x128xf32> to vector<1000x128xf32>
    %add3A_26 = arith.addf %add3A_21, %add3A_25 : vector<1000x128xf32>
    %logistic3A = arith.negf %add3A_26 : vector<1000x128xf32>
    %logistic3A_27 = math.exp %logistic3A : vector<1000x128xf32>
    %logistic3A_28 = arith.constant 1.000000e+00 : f32
    %logistic3A_29 = vector.broadcast %logistic3A_28 : f32 to vector<1000x128xf32>
    %logistic3A_30 = arith.addf %logistic3A_29, %logistic3A_27 : vector<1000x128xf32>
    %logistic3A_31 = arith.divf %logistic3A_29, %logistic3A_30 : vector<1000x128xf32>
    %mul3A = arith.mulf %add3A_26, %logistic3A_31 : vector<1000x128xf32>
    %get3A_32 = arith.constant 0 : index
    %get3A_33 = arith.constant 0 : index
    %get3A_34 = vector.load %arg7[%get3A_32, %get3A_33] : memref<128x128xf32, #tpu.memory_space<vmem>>, vector<128x128xf32>
    %dot_general3A_35 = arith.constant dense<0.000000e+00> : vector<1000x128xf32>
    %dot_general3A_36 = tpu.matmul %mul3A, %get3A_34, %dot_general3A_35 {dimension_numbers = #tpu.dot_dimension_numbers<[1], [0], [0], [1], [0, 0, 1, 1], [], []>, transpose_lhs_hint = false} : vector<1000x128xf32>, vector<128x128xf32>, vector<1000x128xf32> -> vector<1000x128xf32>
    %get3A_37 = arith.constant 0 : index
    %get3A_38 = arith.constant 0 : index
    %get3A_39 = vector.load %arg8[%get3A_37, %get3A_38] : memref<1x128xf32, #tpu.memory_space<vmem>>, vector<1x128xf32>
    %add3A_40 = vector.broadcast %get3A_39 : vector<1x128xf32> to vector<1000x128xf32>
    %add3A_41 = arith.addf %dot_general3A_36, %add3A_40 : vector<1000x128xf32>
    %logistic3A_42 = arith.negf %add3A_41 : vector<1000x128xf32>
    %logistic3A_43 = math.exp %logistic3A_42 : vector<1000x128xf32>
    %logistic3A_44 = arith.constant 1.000000e+00 : f32
    %logistic3A_45 = vector.broadcast %logistic3A_44 : f32 to vector<1000x128xf32>
    %logistic3A_46 = arith.addf %logistic3A_45, %logistic3A_43 : vector<1000x128xf32>
    %logistic3A_47 = arith.divf %logistic3A_45, %logistic3A_46 : vector<1000x128xf32>
    %mul3A_48 = arith.mulf %add3A_41, %logistic3A_47 : vector<1000x128xf32>
    %add3A_49 = arith.addf %mul3A_48, %get3A_11 : vector<1000x128xf32>
    %swap3A = arith.constant 0 : index
    %swap3A_50 = arith.constant 0 : index
    %swap3A_51 = vector.load %arg9[%swap3A, %swap3A_50] : memref<1000x128xf32, #tpu.memory_space<vmem>>, vector<1000x128xf32>
    tpu.vector_store %arg9[%swap3A, %swap3A_50], %add3A_49 {strides = array<i32>} : memref<1000x128xf32, #tpu.memory_space<vmem>>, vector<1000x128xf32>,
    return
  }
  func.func @transform_0(%arg0: i32) -> (i32, i32) {
    %c0_i32 = arith.constant 0 : i32
    %c0_i32_0 = arith.constant 0 : i32
    return %arg0, %c0_i32 : i32, i32
  }
  func.func @transform_1(%arg0: i32) -> (i32, i32) {
    %c0_i32 = arith.constant 0 : i32
    %c0_i32_0 = arith.constant 0 : i32
    return %arg0, %c0_i32 : i32, i32
  }
  func.func @transform_2(%arg0: i32) -> (i32, i32) {
    %c0_i32 = arith.constant 0 : i32
    %c0_i32_0 = arith.constant 0 : i32
    return %arg0, %c0_i32 : i32, i32
  }
  func.func @transform_3(%arg0: i32) -> (i32, i32) {
    %c0_i32 = arith.constant 0 : i32
    %c0_i32_0 = arith.constant 0 : i32
    %c0_i32_1 = arith.constant 0 : i32
    return %c0_i32, %c0_i32_0 : i32, i32
  }
  func.func @transform_4(%arg0: i32) -> (i32, i32) {
    %c0_i32 = arith.constant 0 : i32
    %c0_i32_0 = arith.constant 0 : i32
    %c0_i32_1 = arith.constant 0 : i32
    return %c0_i32, %c0_i32_0 : i32, i32
  }
  func.func @transform_5(%arg0: i32) -> (i32, i32) {
    %c0_i32 = arith.constant 0 : i32
    %c0_i32_0 = arith.constant 0 : i32
    %c0_i32_1 = arith.constant 0 : i32
    return %c0_i32, %c0_i32_0 : i32, i32
  }
  func.func @transform_6(%arg0: i32) -> (i32, i32) {
    %c0_i32 = arith.constant 0 : i32
    %c0_i32_0 = arith.constant 0 : i32
    %c0_i32_1 = arith.constant 0 : i32
    return %c0_i32, %c0_i32_0 : i32, i32
  }
  func.func @transform_7(%arg0: i32) -> (i32, i32) {
    %c0_i32 = arith.constant 0 : i32
    %c0_i32_0 = arith.constant 0 : i32
    %c0_i32_1 = arith.constant 0 : i32
    return %c0_i32, %c0_i32_0 : i32, i32
  }
  func.func @transform_8(%arg0: i32) -> (i32, i32) {
    %c0_i32 = arith.constant 0 : i32
    %c0_i32_0 = arith.constant 0 : i32
    return %arg0, %c0_i32 : i32, i32
  }
}

</mosaic_0001>

<sc_bundles>
// kernel: kernel.10.cloned.1.call-start
scs
__scs_entry_jumppad:
0x0: {  	(pc) =	sbr.rel $0x88, $3  }
0x1: {  	(tag) =	ssettag $0x0;
	lr =	simm.s32 $0x1  }
0x2: {  	[smem:$0x3F96] =	sst lr;
	_ =	strace $0xD0000000  }
0x3: {  	_ = 	snop  }
0x4: {  	_ = 	snop  }
0x5: {  	_ = 	snop  }
0x6: {  	_ = 	snop  }
0x7: {  	_ = 	snop  }
__scs_overlays_trampoline_lowered:
0x8: {  	[smem:$0x3FA5] =	sst s0  }
0x9: {  	[smem:$0x3FA6] =	sst s1  }
0xa: {  	[smem:$0x3FA7] =	sst s2  }
0xb: {  	[smem:$0x3FA8] =	sst s3  }
0xc: {  	[smem:$0x3FA9] =	sst s4  }
0xd: {  	[smem:$0x3FAA] =	sst s5  }
0xe: {  	[smem:$0x3FAB] =	sst s6  }
0xf: {  	[smem:$0x3FAC] =	sst s7  }
0x10: {  	[smem:$0x3FAD] =	sst s8  }
0x11: {  	[smem:$0x3FAE] =	sst s9;
	s0 =	simm.s32 @!p0 $0x0  }
0x12: {  	s1 =	sld [smem:$0x3F94];
	s0 =	simm.s32 @p0 $0x1  }
0x13: {  	[smem:$0x3FAF] =	sst s0;
	s0 =	simm.s32 @!p1 $0x0  }
0x14: {  	s2 =	sld [smem:$0x3F93];
	s0 =	simm.s32 @p1 $0x1  }
0x15: {  	[smem:$0x3FB0] =	sst s0;
	s0 =	simm.s32 @!p2 $0x0  }
0x16: {  	s3 =	sld [smem:$0x3FDB];
	s0 =	simm.s32 @p2 $0x1  }
0x17: {  	s4 =	simm.s32 $0x1BF5;
	[smem:$0x3FB2] =	sst s0  }
0x18: {  	s0 =	sld [smem:$0x3F95];
	_ =	swait.ge [sflag:s4], $0x0  }
0x19: {  	s7 =	sld [smem:$0x3F96]  }
0x1a: {  	s8 =	sadd.s32 $0xFFFFE003, lr  }
0x1b: {  	s9 =	sadd.s32 $0xFFFFFEF7, lr;
	s5 =	simm.s32 $0xFFFFFFFF;
	p2 =	slt.u32 s8, $0xFFFFF086  }
0x1c: {  	p1 =	slt.u32 s9, $0xF7A;
	s5 =	simm.s32 @!p2 $0x0  }
0x1d: {  	s5 =	simm.s32 @p1 $0x1;
	p0 =	seq.s32 s7, s2  }
0x1e: {  	s7 =	smul.u32 @!p0 $0xF7A, s2;
	p2 =	seq.s32 @!p0 s5, $0x0  }
0x1f: {  	s9 =	smul.u32 $0xF7A, s1;
	s8 =	simm.s32 @!p0 $0x1BF5;
	p2 =	por !p2, p0  }
0x20: {  	[sflag:s8] =	ssyncset.s32 @!p0 $0xFFFFF086;
	s6 =	sadd.s32 @!p0 s3, s7;
	s7 =	simm.s32 @!p0 $0x108  }
0x21: {  	s3 =	sadd.s32 s3, s9;
	s6 =	sadd.s32 @!p0 $0x88, s6;
	s7 =	simm.s32 @p2 $0x1082  }
0x22: {  	[simem:s7], [sflag:s8] =	dma.local @!p0 [hbm:s6], $0xF7A  }
0x23: {  	s9 =	sor.u32 $0xD0000000, s2;
	s6 =	simm.s32 $0x108;
	_ =	swait.ge @!p0 [sflag:s8], $0x0  }
0x24: {  	s3 =	sadd.s32 $0x88, s3;
	s6 =	simm.s32 @!p1 $0x1082;
	[sflag:s4] =	ssyncset.s32 $0xFFFFF086  }
0x25: {  	[simem:s6], [sflag:s4] =	dma.local [hbm:s3], $0xF7A  }
0x26: {  	[smem:$0x3F96] =	sst s1;
	(tag) =	ssettag s2;
	_ =	strace s9  }
0x27: {  	s1 =	sld [smem:$0x3FA6]  }
0x28: {  	s2 =	sld [smem:$0x3FA7]  }
0x29: {  	s4 =	sld [smem:$0x3FA9]  }
0x2a: {  	p0 =	seq.s32 s5, $0x0;
	s5 =	sld [smem:$0x3FAA]  }
0x2b: {  	s6 =	sld [smem:$0x3FAB]  }
0x2c: {  	s7 =	sld [smem:$0x3FAC]  }
0x2d: {  	s3 =	simm.s32 $0x108;
	s8 =	sld [smem:$0x3FAD]  }
0x2e: {  	s3 =	simm.s32 @!p0 $0x1082;
	s9 =	sld [smem:$0x3FAE]  }
0x2f: {  	lr =	sadd.s32 s0, s3;
	s0 =	sld [smem:$0x3FA5]  }
0x30: {  	s3 =	sld [smem:$0x3FA8]  }
0x31: {  	[smem:$0x3FB1] =	sst s10  }
0x32: {  	s10 =	sld [smem:$0x3FAF];
	_ =	sdelay $0x3  }
0x33: {  	p0 =	seq.s32 s10, $0x1;
	s10 =	sld [smem:$0x3FB1];
	_ =	sdelay $0x3  }
0x34: {  	[smem:$0x3FB1] =	sst s10  }
0x35: {  	s10 =	sld [smem:$0x3FB0];
	_ =	sdelay $0x3  }
0x36: {  	p1 =	seq.s32 s10, $0x1;
	s10 =	sld [smem:$0x3FB1];
	_ =	sdelay $0x3  }
0x37: {  	[smem:$0x3FB1] =	sst s10  }
0x38: {  	s10 =	sld [smem:$0x3FB2]  }
0x39: {  	_ = 	snop;
	(pc) =	sbr.ind lr, $3  }
0x3a: {  	_ = 	snop  }
0x3b: {  	_ = 	snop  }
0x3c: {  	p2 =	seq.s32 s10, $0x1;
	s10 =	sld [smem:$0x3FB1]  }
0x3d: {  	_ =	shalt  }
0x3e: {  	_ =	shalt  }
0x3f: {  	_ =	shalt  }
0x40: {  	_ =	shalt  }
0x41: {  	_ =	shalt  }
0x42: {  	_ =	shalt  }
0x43: {  	_ =	shalt  }
0x44: {  	_ =	shalt  }
0x45: {  	_ =	shalt  }
0x46: {  	_ =	shalt  }
0x47: {  	_ =	shalt  }
0x48: {  	_ =	shalt  }
0x49: {  	_ =	shalt  }
0x4a: {  	_ =	shalt  }
0x4b: {  	_ =	shalt  }
0x4c: {  	_ =	shalt  }
0x4d: {  	_ =	shalt  }
0x4e: {  	_ =	shalt  }
0x4f: {  	_ =	shalt  }
0x50: {  	_ =	shalt  }
0x51: {  	_ =	shalt  }
0x52: {  	_ =	shalt  }
0x53: {  	_ =	shalt  }
0x54: {  	_ =	shalt  }
0x55: {  	_ =	shalt  }
0x56: {  	_ =	shalt  }
0x57: {  	_ =	shalt  }
0x58: {  	_ =	shalt  }
0x59: {  	_ =	shalt  }
0x5a: {  	_ =	shalt  }
0x5b: {  	_ =	shalt  }
0x5c: {  	_ =	shalt  }
0x5d: {  	_ =	shalt  }
0x5e: {  	_ =	shalt  }
0x5f: {  	_ =	shalt  }
0x60: {  	_ =	shalt  }
0x61: {  	_ =	shalt  }
0x62: {  	_ =	shalt  }
0x63: {  	_ =	shalt  }
0x64: {  	_ =	shalt  }
0x65: {  	_ =	shalt  }
0x66: {  	_ =	shalt  }
0x67: {  	_ =	shalt  }
0x68: {  	_ =	shalt  }
0x69: {  	_ =	shalt  }
0x6a: {  	_ =	shalt  }
0x6b: {  	_ =	shalt  }
0x6c: {  	_ =	shalt  }
0x6d: {  	_ =	shalt  }
0x6e: {  	_ =	shalt  }
0x6f: {  	_ =	shalt  }
0x70: {  	_ =	shalt  }
0x71: {  	_ =	shalt  }
0x72: {  	_ =	shalt  }
0x73: {  	_ =	shalt  }
0x74: {  	_ =	shalt  }
0x75: {  	_ =	shalt  }
0x76: {  	_ =	shalt  }
0x77: {  	_ =	shalt  }
0x78: {  	_ =	shalt  }
0x79: {  	_ =	shalt  }
0x7a: {  	_ =	shalt  }
0x7b: {  	_ =	shalt  }
0x7c: {  	_ =	shalt  }
0x7d: {  	_ =	shalt  }
0x7e: {  	_ =	shalt  }
0x7f: {  	_ =	shalt  }
0x80: {  	_ =	shalt  }
0x81: {  	_ =	shalt  }
0x82: {  	_ =	shalt  }
0x83: {  	_ =	shalt  }
0x84: {  	_ =	shalt  }
0x85: {  	_ =	shalt  }
0x86: {  	_ =	shalt  }
0x87: {  	_ =	shalt  }
.Lfunc_end0:
.L_simem_size_0:
called_computation.1_lowered:
.L_overlay_start_0:
0x88: {  	s2 =	sld [smem:$0x3FD9]  }
0x89: {  	s3 =	sld [smem:$0x3FFE];
	_ =	sdelay $0x1  }
0x8a: {  	s1 =	srdreg.scid  }
0x8b: {  	s0 =	sand.u32 $0x1, s1  }
0x8c: {  	s14 =	sshll.u32 s0, $0xA;
	s2 =	sadd.s32 s3, s2  }
0x8d: {  	s2 =	sadd.s32 s2, s14  }
0x8e: {  	[smem:$0x3FBD] =	sst s2  }
0x8f: {  	_ = 	snop  }
0x90: {  	s2 =	sld [smem:$0x3FD0];
	_ =	sdelay $0x2  }
0x91: {  	s15 =	simm.s32 $0xA;
	s4 =	simm.s32 $0x10  }
0x92: {  	[smem:s4], [sflag:s15] =	dma.local [hbm:s2], $0x1  }
0x93: {  	_ =	swait.eq [sflag:s15], $0x1  }
0x94: {  	[sflag:s15] =	ssyncset.done $0x0  }
0x95: {  	[sflag:s15] =	ssyncadd.s32 $0xFFFFFFFF  }
0x96: {  	s16 =	sld [smem:$0x10];
	(tm) =	ssettm $0x1  }
0x97: {  	s17 =	sld [smem:$0x3FFB];
	_ =	sdelay $0x3  }
0x98: {  	_ =	strace s17  }
0x99: {  	s3 =	sld [smem:$0x3FFC];
	_ =	sdelay $0x3  }
0x9a: {  	_ =	strace s3  }
0x9b: {  	s3 =	sld [smem:$0x3FFD];
	_ =	sdelay $0x3  }
0x9c: {  	_ =	strace s3  }
0x9d: {  	_ =	strace $0x8FFFFFFF  }
0x9e: {  	s18 =	sld [smem:$0x3FDB];
	_ =	sdelay $0x1  }
0x9f: {  	s19 =	simm.s32 $_scs_section_size  }
0xa0: {  	s5 =	simm.s32 $_size__tile_overlayer_lowered;
	s6 =	simm.s32 $_tile_overlayer_lowered  }
0xa1: {  	s22 =	simm.s32 $0x1BFF;
	s21 =	sshll.u32 s6, $0x1;
	s3 =	sadd.s32 s19, s18  }
0xa2: {  	s7 =	simm.s32 $0x0;
	s20 =	sshll.u32 s5, $0x1;
	s5 =	sadd.s32 s21, s3  }
0xa3: {  	[timem:s7], [sflag:s22] =	dma.local [hbm:s5], s20  }
0xa4: {  	_ =	swait.ge [sflag:s22], s20  }
0xa5: {  	s4 =	ssub.s32 $0x0, s20;
	[sflag:s22] =	ssyncset.done $0x0  }
0xa6: {  	[sflag:s22] =	ssyncadd.s32 s4;
	_ =	sdelay $0x1  }
0xa7: {  	s23 =	simm.s32 $0x1B8B  }
0xa8: {  	_ =	swait.ge [sflag:s23], $0x1  }
0xa9: {  	[sflag:s23] =	ssyncset.done $0x0  }
0xaa: {  	s25 =	simm.s32 $0x1B8E;
	s24 =	sld [smem:$0x3FFE];
	[sflag:s23] =	ssyncadd.s32 $0xFFFFFFFF  }
0xab: {  	s26 =	simm.s32 $execute0_lowered;
	[smem:$0x3FD2] =	sst s25  }
0xac: {  	s5 =	sshll.u32 s26, $0x1;
	_ =	strace $0x80000049;
	[dreg:$0x1] =	wrdreg $0xFFFFFFFF  }
0xad: {  	s28 =	simm.s32 $_size_execute0_lowered;
	s3 =	sadd.s32 s3, s5;
	[dreg:$0x0] =	wrdreg $0x0  }
0xae: {  	s5 =	sshll.u32 s28, $0x1;
	[dreg:$0x2] =	wrdreg s3  }
0xaf: {  	[dreg:$0x3] =	wrdreg s5  }
0xb0: {  	[dreg:$0x4] =	wrdreg $0xC0  }
0xb1: {  	_ =	task [dreg:s7], $0x5FFFF  }
0xb2: {  	[dreg:$0x1] =	wrdreg $0xFFFFFFFF  }
0xb3: {  	[dreg:$0x0] =	wrdreg $0x60  }
0xb4: {  	[dreg:$0x2] =	wrdreg s24  }
0xb5: {  	[dreg:$0x3] =	wrdreg s16  }
0xb6: {  	[dreg:$0x4] =	wrdreg $0xB8000  }
0xb7: {  	[dreg:$0x5] =	wrdreg $0x9  }
0xb8: {  	_ =	task.clear_ibuf [dreg:s7], $0x6FFFF;
	_ =	strace $0x90000049  }
0xb9: {  	s29 =	simm.s32 $0x9;
	_ =	strace $0x8000004B  }
0xba: {  	_ =	swait.ge [sflag:s29], $0x1  }
0xbb: {  	[sflag:s29] =	ssyncadd.s32 $0xFFFFFFFF  }
0xbc: {  	_ =	strace $0x9000004B  }
0xbd: {  	_ =	sfence  }
0xbe: {  	s30 =	sld [smem:$0x0];
	_ =	sdelay $0x2  }
0xbf: {  	s31 =	sshll.u32 s1, $0xD;
	s1 =	sshrl.u32 s1, $0x2  }
0xc0: {  	s3 =	sand.u32 $0x4000, s31;
	s1 =	sadd.s32 s1, s30  }
0xc1: {  	s0 =	sor.u32 s3, s0;
	s1 =	sshll.u32 s1, $0x11  }
0xc2: {  	s0 =	sor.u32 s1, s0  }
0xc3: {  	s0 =	sadd.s32 $0x8F2B, s0  }
0xc4: {  	[sflag:s0] =	ssyncadd.remote.s32 $0x1  }
0xc5: {  	_ =	sfence.sel $0xFFFF  }
0xc6: {  	[dreg:$0x0] =	wrdreg $0xFFFFFFFF;
	(pc) =	sbr.abs _section_cstart, $3  }
0xc7: {  	[dreg:$0x1] =	wrdreg $0xFFFFFFFF  }
0xc8: {  	_ =	task.clear_ibuf [dreg:s7], $0x2FFFF;
	_ =	strace $0x9FFFFFFF  }
0xc9: {  	(tm) =	ssettm $0x7FFFFFFF  }
tec
execute0_lowered:
.L_overlay_start_1:
0x0: {  	(tag) =	ssettag $0x1  }
0x1: {  	s1 =	srdreg.scid;
	s7 =	rddreg [dreg:$0x0]  }
0x2: {  	s0 =	stileid.u32;
	s2 =	rddreg [dreg:$0x1]  }
0x3: {  	s3 =	rddreg [dreg:$0x2];
	s4 =	simm.s32 $0x0;
	s17 =	simm.s32 $0x5  }
0x4: {  	s18 =	simm.s32 $0x3800;
	s19 =	simm.s32 $0x7800;
	s20 =	simm.s32 $0x2800  }
0x5: {  	s21 =	simm.s32 $0x1;
	s22 =	simm.s32 $0x80;
	s23 =	simm.s32 $0x4  }
0x6: {  	s24 =	simm.s32 $0x2;
	s8 =	sand.u32 $0x1, s1;
	s10 =	smul.u32 $0x13C00, s0  }
0x7: {  	s29 =	sshll.u32 s0, $0x1;
	[smem:$0x7FF] =	sst s4;
	s30 =	smul.u32 $0x4E200, s0  }
0x8: {  	s5 =	sadd.s32 $0xC600, s7;
	s25 =	sor.u32 s8, s29;
	s9 =	smul.u32 $0x13C000, s8  }
0x9: {  	s13 =	sshll.u32 s0, $0x6;
	s8 =	ssub.s32 $0x2, s8;
	s6 =	smul.u32 $0x500, s25  }
0xa: {  	_ =	strace $0x8000004A;
	s31 =	sshrl.u32 s8, $0x1;
	s14 =	smul.u32 $0x5000, s25  }
0xb: {  	p0 =	seq.s32 s25, $0x1F;
	s9 =	sadd.s32 s10, s9;
	s10 =	sshrl.u32 s30, $0x2  }
0xc: {  	s15 =	ssub.s32 s8, s31;
	s8 =	sor.u32 $0x1C05, s13;
	s11 =	sadd.s32 s6, s7  }
.Ltmp0:
0xd: {  	s6 =	sadd.s32 $0xA8A00, s7;
	s9 =	sshrl.u32 s9, $0x3;
	(pc) =	sbr.rel .LBB2_1-.Ltmp0, $4  }
0xe: {  	s16 =	sadd.s32 s10, s3;
	s10 =	sadd.s32 s5, s14;
	s13 =	smax.u32 s15, $0x1  }
0xf: {  	s12 =	sadd.s32 s9, s7;
	s7 =	smul.u32 $0x50, s25;
	s9 =	sadd.s32 $0x2600, s11  }
0x10: {  	s16 =	sshrl.u32 s16, $0x3;
	s25 =	simm.s32 $0x0;
	s12 =	sadd.s32 $0xA9200, s12  }
0x11: {  	s11 =	sor.u32 $0x2, s7;
	s14 =	ssub.s32 $0x9C6, s7;
	s15 =	ssub.s32 $0x9C5, s7  }
.LBB2_15:
0x12: {  	s1 =	simm.s32 @!p0 $0x3  }
0x13: {  	_ =	swait.ge @!p0 [sflag:s1], $0x4000  }
0x14: {  	[sflag:s1] =	ssyncset.done @!p0 $0x0  }
0x15: {  	[sflag:s1] =	ssyncadd.s32 @!p0 $0xFFFFC000;
	s1 =	simm.s32 @!p0 $0x4  }
0x16: {  	_ =	swait.ge @!p0 [sflag:s1], $0x4000  }
0x17: {  	s25 =	sadd.s32 $0x1, s25;
	[sflag:s1] =	ssyncset.done @!p0 $0x0  }
0x18: {  	p1 =	sne.s32 s25, s13;
	[sflag:s1] =	ssyncadd.s32 @!p0 $0xFFFFC000  }
.Ltmp1:
0x19: {  	[bflag:$0x0] =	sbarrier.arrive $0xFFFF;
	(pc) =	sbr.rel @!p1 .LBB2_16-.Ltmp1, $4  }
0x1a: {  	[hbm:s12], [sflag:s8] =	dma.local [spmem:s16], $0x2710  }
0x1b: {  	_ =	swait.ge [sflag:s17], $0x2710  }
0x1c: {  	[sflag:s17] =	ssyncset.done $0x0  }
0x1d: {  	[sflag:s17] =	ssyncadd.s32 $0xFFFFD8F0  }
.LBB2_1:
0x1e: {  	[spmem:s16], [sflag:s8] =	dma.local [hbm:s2], $0x2710  }
0x1f: {  	_ =	swait.ge [sflag:s17], $0x2710  }
0x20: {  	[sflag:s17] =	ssyncset.done $0x0  }
0x21: {  	[sflag:s17] =	ssyncadd.s32 $0xFFFFD8F0  }
0x22: {  	[tilespmem:s18], [sflag:$0x5] =	stream.linear.gather [hbm4b:s6+s4], $0x4000, $0x38;
	[tilespmem:$0x1F080] =	vst v63  }
0x23: {  	_ =	swait.ge [sflag:s17], $0x4000  }
0x24: {  	[sflag:s17] =	ssyncset.done $0x0  }
0x25: {  	[sflag:s17] =	ssyncadd.s32 $0xFFFFC000  }
0x26: {  	[tilespmem:s19], [sflag:$0x5] =	stream.linear.gather [hbm4b:s6+s4], $0x4000, $0x38;
	[tilespmem:$0x1F080] =	vst v63  }
0x27: {  	_ =	swait.ge [sflag:s17], $0x4000  }
0x28: {  	[sflag:s17] =	ssyncset.done $0x0  }
0x29: {  	[sflag:s17] =	ssyncadd.s32 $0xFFFFC000  }
0x2a: {  	[tilespmem:s4], [sflag:$0x5] =	stream.linear.gather [hbm4b:s9+s4], $0x2800, $0x38;
	[tilespmem:$0x1F080] =	vst v63  }
.Ltmp2:
0x2b: {  	_ =	swait.ge [sflag:s17], $0x2800;
	(pc) =	sbr.rel .LBB2_2-.Ltmp2, $4  }
0x2c: {  	[sflag:s17] =	ssyncset.done $0x0  }
0x2d: {  	[sflag:s17] =	ssyncadd.s32 $0xFFFFD800  }
0x2e: {  	s26 =	simm.s32 $0x0;
	[bflag:$0x0] =	sbarrier.arrive $0xFFFF  }
0x2f: {  	[tilespmem:s20], [sflag:$0x1] =	stream.linear.gather [hbm4b:s10+s4], $0x800, $0x38;
	[tilespmem:$0x1F080] =	vst v63  }
.LBB2_14:
0x30: {  	s26 =	sadd.s32 $0x1, s26  }
0x31: {  	p1 =	sne.s32 s26, $0x28  }
.Ltmp3:
0x32: {  	_ = 	snop;
	(pc) =	sbr.rel @!p1 .LBB2_15-.Ltmp3, $1  }
0x33: {  	_ =	sdelay $0x3  }
.LBB2_2:
0x34: {  	s28 =	sshllo.u32 s26, $0x1  }
0x35: {  	s29 =	sadd.s32 s7, s28  }
0x36: {  	p1 =	sgt.u32 s29, $0x9C3  }
0x37: {  	s29 =	sshll.u32 @!p1 s29, $0x8  }
0x38: {  	s30 =	simm.s32 @!p1 $0x0;
	s31 =	simm.s32 @!p1 $0x3000;
	s29 =	sadd.s32 @!p1 s5, s29  }
0x39: {  	[tilespmem:s31], [sflag:$0x2] =	stream.linear.gather @!p1 [hbm4b:s29+s30], $0x800, $0x38;
	[tilespmem:$0x1F080] =	vst v63  }
0x3a: {  	s29 =	sshll.u32 s26, $0x1  }
0x3b: {  	p2 =	seq.s32 s26, $0x0;
	s1 =	sadd.s32 s7, s29  }
0x3c: {  	p3 =	sge.s32 @!p2 s29, s14;
	p4 =	sgt.u32 s1, $0x9C3  }
.Ltmp4:
0x3d: {  	p3 =	por p3, p2;
	(pc) =	sbr.rel @p4 .LBB2_6-.Ltmp4, $4  }
0x3e: {  	s30 =	simm.s32 @!p3 $0x3  }
0x3f: {  	_ =	swait.ge @!p3 [sflag:s30], $0x4000  }
0x40: {  	[sflag:s30] =	ssyncset.done @!p3 $0x0  }
0x41: {  	[sflag:s30] =	ssyncadd.s32 @!p3 $0xFFFFC000  }
0x42: {  	_ =	swait.ge [sflag:s21], $0x800  }
0x43: {  	[sflag:s21] =	ssyncset.done $0x0  }
0x44: {  	s1 =	simm.s32 $0x0;
	[sflag:s21] =	ssyncadd.s32 $0xFFFFF800  }
0x45: {  	v0 =	vld [tilespmem:s1+$0x2800];
	_ =	sdelay $0x3  }
0x46: {  	s30 =	simm.s32 $0x3800;
	s31 =	simm.s32 $0x40  }
.LBB2_4:
0x47: {  	s1 =	sshra.s32 s31, $0x2;
	p3 =	sne.s32 s31, $0x1FC0;
	s31 =	sadd.s32 $0x40, s31;
	[tilespmem:s30+$0x0] =	vst v0  }
.Ltmp5:
0x48: {  	v0 =	vld [tilespmem:s1+$0x2800];
	(pc) =	sbr.rel @p3 .LBB2_4-.Ltmp5, $2  }
0x49: {  	_ =	sdelay $0x2  }
0x4a: {  	s30 =	sadd.s32 $0x80, s30  }
0x4b: {  	s1 =	sshll.u32 s26, $0x8  }
0x4c: {  	[tilespmem:s30+$0x0] =	vst v0;
	s1 =	sand.u32 $0x3FFFFF00, s1  }
0x4d: {  	[spmem:s3] =	stream.indirect.scatter.add.f32 [tilespmem:s18], [sflag:$0x3], $0x80, s1, s22, $0xb8;
	[tilespmem:$0x1F080] =	vst v63  }
.LBB2_6:
0x4e: {  	p3 =	seq.s32 s26, $0x27  }
.Ltmp6:
0x4f: {  	_ = 	snop;
	(pc) =	sbr.rel @!p3 .LBB2_7-.Ltmp6, $1  }
0x50: {  	_ =	sdelay $0x3  }
0x51: {  	p2 =	sge.s32 s29, s15  }
.Ltmp7:
0x52: {  	_ = 	snop;
	(pc) =	sbr.rel @p2 .LBB2_10-.Ltmp7, $4  }
.Ltmp8:
0x53: {  	_ = 	snop;
	(pc) =	sbr.rel @!p2 .LBB2_9-.Ltmp8, $4  }
0x54: {  	_ = 	snop  }
0x55: {  	_ = 	snop  }
0x56: {  	_ = 	snop  }
0x57: {  	_ = 	snop  }
.LBB2_7:
0x58: {  	s1 =	sadd.s32 s29, s11  }
0x59: {  	p3 =	sgt.u32 s1, $0x9C3  }
0x5a: {  	s1 =	sshll.u32 @!p3 s1, $0x8  }
0x5b: {  	s30 =	simm.s32 @!p3 $0x0;
	s31 =	simm.s32 @!p3 $0x2800;
	s1 =	sadd.s32 @!p3 s5, s1  }
0x5c: {  	[tilespmem:s31], [sflag:$0x1] =	stream.linear.gather @!p3 [hbm4b:s1+s30], $0x800, $0x38;
	[tilespmem:$0x1F080] =	vst v63  }
0x5d: {  	p3 =	slt.s32 @!p2 s29, s15  }
0x5e: {  	p2 =	por p2, !p3  }
.Ltmp9:
0x5f: {  	_ = 	snop;
	(pc) =	sbr.rel @p2 .LBB2_10-.Ltmp9, $1  }
0x60: {  	_ =	sdelay $0x3  }
.LBB2_9:
0x61: {  	_ =	swait.ge [sflag:s23], $0x4000  }
0x62: {  	[sflag:s23] =	ssyncset.done $0x0  }
0x63: {  	[sflag:s23] =	ssyncadd.s32 $0xFFFFC000  }
.LBB2_10:
.Ltmp10:
0x64: {  	(pc) =	sbr.rel @p1 .LBB2_14-.Ltmp10, $1  }
0x65: {  	_ =	sdelay $0x3  }
0x66: {  	_ =	swait.ge [sflag:s24], $0x800  }
0x67: {  	[sflag:s24] =	ssyncset.done $0x0  }
0x68: {  	s1 =	simm.s32 $0x0;
	[sflag:s24] =	ssyncadd.s32 $0xFFFFF800  }
0x69: {  	v0 =	vld [tilespmem:s1+$0x3000];
	_ =	sdelay $0x3  }
0x6a: {  	s29 =	simm.s32 $0x7800;
	s30 =	simm.s32 $0x40  }
.LBB2_12:
0x6b: {  	s1 =	sshra.s32 s30, $0x2;
	p1 =	sne.s32 s30, $0x1FC0;
	s30 =	sadd.s32 $0x40, s30;
	[tilespmem:s29+$0x0] =	vst v0  }
.Ltmp11:
0x6c: {  	v0 =	vld [tilespmem:s1+$0x3000];
	(pc) =	sbr.rel @p1 .LBB2_12-.Ltmp11, $2  }
0x6d: {  	_ =	sdelay $0x2  }
0x6e: {  	s29 =	sadd.s32 $0x80, s29  }
.Ltmp12:
0x6f: {  	(pc) =	sbr.rel .LBB2_14-.Ltmp12, $4  }
0x70: {  	_ = 	snop  }
0x71: {  	s1 =	sshll.u32 s28, $0x7  }
0x72: {  	[tilespmem:s29+$0x0] =	vst v0;
	s1 =	sand.u32 $0x3FFFFF80, s1  }
0x73: {  	[spmem:s3] =	stream.indirect.scatter.add.f32 [tilespmem:s19], [sflag:$0x4], $0x80, s1, s22, $0xb8;
	[tilespmem:$0x1F080] =	vst v63  }
.LBB2_16:
0x74: {  	_ =	sfence.sel $0x180000  }
0x75: {  	[bflag:$0x0] =	sbarrier.arrive $0xFFFF  }
0x76: {  	_ =	strace $0x9000004A  }
0x77: {  	[bflag:$0x2] =	sbarrier.arrive $0xFFFF  }
0x78: {  	p0 =	sne.s32 s0, $0x0;
	s0 =	rddreg [dreg:$0x3]  }
0x79: {  	s0 =	sadd.s32 @!p0 $0x100000, s0  }
0x7a: {  	[sflag:s0] =	ssyncadd.tile.s32 @!p0 $0x1;
	_ =	shalt  }
.Lfunc_end2:
_tile_overlayer_lowered:
.L_overlay_start_2:
0x7b: {  	(tag) =	ssettag $0x2  }
0x7c: {  	s0 =	rddreg [dreg:$0x0];
	s2 =	stileid.u32  }
0x7d: {  	s1 =	rddreg [dreg:$0x1];
	p0 =	sne.s32 s2, $0x0  }
0x7e: {  	s3 =	rddreg [dreg:$0x2];
	[bflag:$0x3] =	sbarrier.arrive $0xFFFF;
	s2 =	simm.s32 @!p0 $0x1C05  }
0x7f: {  	[timem:s3], [sflag:s2] =	dma.local @!p0 [hbm:s0], s1  }
0x80: {  	s0 =	simm.s32 @!p0 $0x5  }
0x81: {  	_ =	swait.ge @!p0 [sflag:s0], s1  }
0x82: {  	s1 =	ssub.s32 @!p0 $0x0, s1;
	[sflag:s0] =	ssyncset.done @!p0 $0x0  }
0x83: {  	[sflag:s0] =	ssyncadd.s32 @!p0 s1  }
0x84: {  	[bflag:$0x3] =	sbarrier.arrive $0xFFFF  }
0x85: {  	_ =	shalt  }

// kernel: kernel.7.cloned.1.call-start
scs
__scs_entry_jumppad:
0x0: {  	(pc) =	sbr.rel $0x88, $3  }
0x1: {  	(tag) =	ssettag $0x0;
	lr =	simm.s32 $0x1  }
0x2: {  	[smem:$0x3F96] =	sst lr;
	_ =	strace $0xD0000000  }
0x3: {  	_ = 	snop  }
0x4: {  	_ = 	snop  }
0x5: {  	_ = 	snop  }
0x6: {  	_ = 	snop  }
0x7: {  	_ = 	snop  }
__scs_overlays_trampoline_lowered:
0x8: {  	[smem:$0x3FA5] =	sst s0  }
0x9: {  	[smem:$0x3FA6] =	sst s1  }
0xa: {  	[smem:$0x3FA7] =	sst s2  }
0xb: {  	[smem:$0x3FA8] =	sst s3  }
0xc: {  	[smem:$0x3FA9] =	sst s4  }
0xd: {  	[smem:$0x3FAA] =	sst s5  }
0xe: {  	[smem:$0x3FAB] =	sst s6  }
0xf: {  	[smem:$0x3FAC] =	sst s7  }
0x10: {  	[smem:$0x3FAD] =	sst s8  }
0x11: {  	[smem:$0x3FAE] =	sst s9;
	s0 =	simm.s32 @!p0 $0x0  }
0x12: {  	s1 =	sld [smem:$0x3F94];
	s0 =	simm.s32 @p0 $0x1  }
0x13: {  	[smem:$0x3FAF] =	sst s0;
	s0 =	simm.s32 @!p1 $0x0  }
0x14: {  	s2 =	sld [smem:$0x3F93];
	s0 =	simm.s32 @p1 $0x1  }
0x15: {  	[smem:$0x3FB0] =	sst s0;
	s0 =	simm.s32 @!p2 $0x0  }
0x16: {  	s3 =	sld [smem:$0x3FDB];
	s0 =	simm.s32 @p2 $0x1  }
0x17: {  	s4 =	simm.s32 $0x1BF5;
	[smem:$0x3FB2] =	sst s0  }
0x18: {  	s0 =	sld [smem:$0x3F95];
	_ =	swait.ge [sflag:s4], $0x0  }
0x19: {  	s7 =	sld [smem:$0x3F96]  }
0x1a: {  	s8 =	sadd.s32 $0xFFFFE003, lr  }
0x1b: {  	s9 =	sadd.s32 $0xFFFFFEF7, lr;
	s5 =	simm.s32 $0xFFFFFFFF;
	p2 =	slt.u32 s8, $0xFFFFF086  }
0x1c: {  	p1 =	slt.u32 s9, $0xF7A;
	s5 =	simm.s32 @!p2 $0x0  }
0x1d: {  	s5 =	simm.s32 @p1 $0x1;
	p0 =	seq.s32 s7, s2  }
0x1e: {  	s7 =	smul.u32 @!p0 $0xF7A, s2;
	p2 =	seq.s32 @!p0 s5, $0x0  }
0x1f: {  	s9 =	smul.u32 $0xF7A, s1;
	s8 =	simm.s32 @!p0 $0x1BF5;
	p2 =	por !p2, p0  }
0x20: {  	[sflag:s8] =	ssyncset.s32 @!p0 $0xFFFFF086;
	s6 =	sadd.s32 @!p0 s3, s7;
	s7 =	simm.s32 @!p0 $0x108  }
0x21: {  	s3 =	sadd.s32 s3, s9;
	s6 =	sadd.s32 @!p0 $0x88, s6;
	s7 =	simm.s32 @p2 $0x1082  }
0x22: {  	[simem:s7], [sflag:s8] =	dma.local @!p0 [hbm:s6], $0xF7A  }
0x23: {  	s9 =	sor.u32 $0xD0000000, s2;
	s6 =	simm.s32 $0x108;
	_ =	swait.ge @!p0 [sflag:s8], $0x0  }
0x24: {  	s3 =	sadd.s32 $0x88, s3;
	s6 =	simm.s32 @!p1 $0x1082;
	[sflag:s4] =	ssyncset.s32 $0xFFFFF086  }
0x25: {  	[simem:s6], [sflag:s4] =	dma.local [hbm:s3], $0xF7A  }
0x26: {  	[smem:$0x3F96] =	sst s1;
	(tag) =	ssettag s2;
	_ =	strace s9  }
0x27: {  	s1 =	sld [smem:$0x3FA6]  }
0x28: {  	s2 =	sld [smem:$0x3FA7]  }
0x29: {  	s4 =	sld [smem:$0x3FA9]  }
0x2a: {  	p0 =	seq.s32 s5, $0x0;
	s5 =	sld [smem:$0x3FAA]  }
0x2b: {  	s6 =	sld [smem:$0x3FAB]  }
0x2c: {  	s7 =	sld [smem:$0x3FAC]  }
0x2d: {  	s3 =	simm.s32 $0x108;
	s8 =	sld [smem:$0x3FAD]  }
0x2e: {  	s3 =	simm.s32 @!p0 $0x1082;
	s9 =	sld [smem:$0x3FAE]  }
0x2f: {  	lr =	sadd.s32 s0, s3;
	s0 =	sld [smem:$0x3FA5]  }
0x30: {  	s3 =	sld [smem:$0x3FA8]  }
0x31: {  	[smem:$0x3FB1] =	sst s10  }
0x32: {  	s10 =	sld [smem:$0x3FAF];
	_ =	sdelay $0x3  }
0x33: {  	p0 =	seq.s32 s10, $0x1;
	s10 =	sld [smem:$0x3FB1];
	_ =	sdelay $0x3  }
0x34: {  	[smem:$0x3FB1] =	sst s10  }
0x35: {  	s10 =	sld [smem:$0x3FB0];
	_ =	sdelay $0x3  }
0x36: {  	p1 =	seq.s32 s10, $0x1;
	s10 =	sld [smem:$0x3FB1];
	_ =	sdelay $0x3  }
0x37: {  	[smem:$0x3FB1] =	sst s10  }
0x38: {  	s10 =	sld [smem:$0x3FB2]  }
0x39: {  	_ = 	snop;
	(pc) =	sbr.ind lr, $3  }
0x3a: {  	_ = 	snop  }
0x3b: {  	_ = 	snop  }
0x3c: {  	p2 =	seq.s32 s10, $0x1;
	s10 =	sld [smem:$0x3FB1]  }
0x3d: {  	_ =	shalt  }
0x3e: {  	_ =	shalt  }
0x3f: {  	_ =	shalt  }
0x40: {  	_ =	shalt  }
0x41: {  	_ =	shalt  }
0x42: {  	_ =	shalt  }
0x43: {  	_ =	shalt  }
0x44: {  	_ =	shalt  }
0x45: {  	_ =	shalt  }
0x46: {  	_ =	shalt  }
0x47: {  	_ =	shalt  }
0x48: {  	_ =	shalt  }
0x49: {  	_ =	shalt  }
0x4a: {  	_ =	shalt  }
0x4b: {  	_ =	shalt  }
0x4c: {  	_ =	shalt  }
0x4d: {  	_ =	shalt  }
0x4e: {  	_ =	shalt  }
0x4f: {  	_ =	shalt  }
0x50: {  	_ =	shalt  }
0x51: {  	_ =	shalt  }
0x52: {  	_ =	shalt  }
0x53: {  	_ =	shalt  }
0x54: {  	_ =	shalt  }
0x55: {  	_ =	shalt  }
0x56: {  	_ =	shalt  }
0x57: {  	_ =	shalt  }
0x58: {  	_ =	shalt  }
0x59: {  	_ =	shalt  }
0x5a: {  	_ =	shalt  }
0x5b: {  	_ =	shalt  }
0x5c: {  	_ =	shalt  }
0x5d: {  	_ =	shalt  }
0x5e: {  	_ =	shalt  }
0x5f: {  	_ =	shalt  }
0x60: {  	_ =	shalt  }
0x61: {  	_ =	shalt  }
0x62: {  	_ =	shalt  }
0x63: {  	_ =	shalt  }
0x64: {  	_ =	shalt  }
0x65: {  	_ =	shalt  }
0x66: {  	_ =	shalt  }
0x67: {  	_ =	shalt  }
0x68: {  	_ =	shalt  }
0x69: {  	_ =	shalt  }
0x6a: {  	_ =	shalt  }
0x6b: {  	_ =	shalt  }
0x6c: {  	_ =	shalt  }
0x6d: {  	_ =	shalt  }
0x6e: {  	_ =	shalt  }
0x6f: {  	_ =	shalt  }
0x70: {  	_ =	shalt  }
0x71: {  	_ =	shalt  }
0x72: {  	_ =	shalt  }
0x73: {  	_ =	shalt  }
0x74: {  	_ =	shalt  }
0x75: {  	_ =	shalt  }
0x76: {  	_ =	shalt  }
0x77: {  	_ =	shalt  }
0x78: {  	_ =	shalt  }
0x79: {  	_ =	shalt  }
0x7a: {  	_ =	shalt  }
0x7b: {  	_ =	shalt  }
0x7c: {  	_ =	shalt  }
0x7d: {  	_ =	shalt  }
0x7e: {  	_ =	shalt  }
0x7f: {  	_ =	shalt  }
0x80: {  	_ =	shalt  }
0x81: {  	_ =	shalt  }
0x82: {  	_ =	shalt  }
0x83: {  	_ =	shalt  }
0x84: {  	_ =	shalt  }
0x85: {  	_ =	shalt  }
0x86: {  	_ =	shalt  }
0x87: {  	_ =	shalt  }
.Lfunc_end0:
.L_simem_size_0:
called_computation_lowered:
.L_overlay_start_0:
0x88: {  	s2 =	sld [smem:$0x3FD9]  }
0x89: {  	s3 =	sld [smem:$0x3FFE];
	_ =	sdelay $0x1  }
0x8a: {  	s1 =	srdreg.scid  }
0x8b: {  	s0 =	sand.u32 $0x1, s1  }
0x8c: {  	s14 =	sshll.u32 s0, $0xA;
	s2 =	sadd.s32 s3, s2  }
0x8d: {  	s2 =	sadd.s32 s2, s14  }
0x8e: {  	[smem:$0x3FBD] =	sst s2  }
0x8f: {  	_ = 	snop  }
0x90: {  	s2 =	sld [smem:$0x3FD0];
	_ =	sdelay $0x2  }
0x91: {  	s15 =	simm.s32 $0xA;
	s4 =	simm.s32 $0x10  }
0x92: {  	[smem:s4], [sflag:s15] =	dma.local [hbm:s2], $0x1  }
0x93: {  	_ =	swait.eq [sflag:s15], $0x1  }
0x94: {  	[sflag:s15] =	ssyncset.done $0x0  }
0x95: {  	s16 =	sld [smem:$0x10];
	[sflag:s15] =	ssyncadd.s32 $0xFFFFFFFF  }
0x96: {  	s17 =	sld [smem:$0x11];
	(tm) =	ssettm $0x1  }
0x97: {  	s18 =	sld [smem:$0x3FFB];
	_ =	sdelay $0x3  }
0x98: {  	_ =	strace s18  }
0x99: {  	s4 =	sld [smem:$0x3FFC];
	_ =	sdelay $0x3  }
0x9a: {  	_ =	strace s4  }
0x9b: {  	s4 =	sld [smem:$0x3FFD];
	_ =	sdelay $0x3  }
0x9c: {  	_ =	strace s4  }
0x9d: {  	_ =	strace $0x8FFFFFFF  }
0x9e: {  	s19 =	sld [smem:$0x3FDB];
	_ =	sdelay $0x1  }
0x9f: {  	s5 =	simm.s32 $_scs_section_size  }
0xa0: {  	s6 =	simm.s32 $_size__tile_overlayer_lowered;
	s7 =	simm.s32 $_tile_overlayer_lowered  }
0xa1: {  	s22 =	simm.s32 $0x1BFF;
	s21 =	sshll.u32 s7, $0x1;
	s4 =	sadd.s32 s5, s19  }
0xa2: {  	s8 =	simm.s32 $0x0;
	s20 =	sshll.u32 s6, $0x1;
	s6 =	sadd.s32 s21, s4  }
0xa3: {  	[timem:s8], [sflag:s22] =	dma.local [hbm:s6], s20  }
0xa4: {  	_ =	swait.ge [sflag:s22], s20  }
0xa5: {  	s5 =	ssub.s32 $0x0, s20;
	[sflag:s22] =	ssyncset.done $0x0  }
0xa6: {  	[sflag:s22] =	ssyncadd.s32 s5;
	_ =	sdelay $0x1  }
0xa7: {  	s23 =	simm.s32 $0x1B8B  }
0xa8: {  	_ =	swait.ge [sflag:s23], $0x1  }
0xa9: {  	[sflag:s23] =	ssyncset.done $0x0  }
0xaa: {  	s25 =	simm.s32 $0x1B8E;
	s24 =	sld [smem:$0x3FFE];
	[sflag:s23] =	ssyncadd.s32 $0xFFFFFFFF  }
0xab: {  	s26 =	simm.s32 $execute0_lowered;
	[smem:$0x3FD2] =	sst s25  }
0xac: {  	s6 =	sshll.u32 s26, $0x1;
	_ =	strace $0x80000046;
	[dreg:$0x1] =	wrdreg $0xFFFFFFFF  }
0xad: {  	s28 =	simm.s32 $_size_execute0_lowered;
	s4 =	sadd.s32 s4, s6;
	[dreg:$0x0] =	wrdreg $0x0  }
0xae: {  	s6 =	sshll.u32 s28, $0x1;
	[dreg:$0x2] =	wrdreg s4  }
0xaf: {  	[dreg:$0x3] =	wrdreg s6  }
0xb0: {  	[dreg:$0x4] =	wrdreg $0xC0  }
0xb1: {  	_ =	task [dreg:s8], $0x5FFFF  }
0xb2: {  	[dreg:$0x1] =	wrdreg $0xFFFFFFFF  }
0xb3: {  	[dreg:$0x0] =	wrdreg $0x60  }
0xb4: {  	[dreg:$0x2] =	wrdreg s16  }
0xb5: {  	[dreg:$0x3] =	wrdreg s17  }
0xb6: {  	[dreg:$0x4] =	wrdreg s24  }
0xb7: {  	[dreg:$0x5] =	wrdreg $0x9  }
0xb8: {  	_ =	task.clear_ibuf [dreg:s8], $0x6FFFF;
	_ =	strace $0x90000046  }
0xb9: {  	s29 =	simm.s32 $0x9;
	_ =	strace $0x80000048  }
0xba: {  	_ =	swait.ge [sflag:s29], $0x1  }
0xbb: {  	[sflag:s29] =	ssyncadd.s32 $0xFFFFFFFF  }
0xbc: {  	_ =	strace $0x90000048  }
0xbd: {  	_ =	sfence  }
0xbe: {  	s30 =	sld [smem:$0x0];
	_ =	sdelay $0x2  }
0xbf: {  	s31 =	sshll.u32 s1, $0xD;
	s1 =	sshrl.u32 s1, $0x2  }
0xc0: {  	s3 =	sand.u32 $0x4000, s31;
	s1 =	sadd.s32 s1, s30  }
0xc1: {  	s0 =	sor.u32 s3, s0;
	s1 =	sshll.u32 s1, $0x11  }
0xc2: {  	s0 =	sor.u32 s1, s0  }
0xc3: {  	s0 =	sadd.s32 $0x8F2B, s0  }
0xc4: {  	[sflag:s0] =	ssyncadd.remote.s32 $0x1  }
0xc5: {  	_ =	sfence.sel $0xFFFF  }
0xc6: {  	[dreg:$0x0] =	wrdreg $0xFFFFFFFF;
	(pc) =	sbr.abs _section_cstart, $3  }
0xc7: {  	[dreg:$0x1] =	wrdreg $0xFFFFFFFF  }
0xc8: {  	_ =	task.clear_ibuf [dreg:s8], $0x2FFFF;
	_ =	strace $0x9FFFFFFF  }
0xc9: {  	(tm) =	ssettm $0x7FFFFFFF  }
tec
execute0_lowered:
.L_overlay_start_1:
0x0: {  	(tag) =	ssettag $0x1  }
0x1: {  	s1 =	rddreg [dreg:$0x0];
	s2 =	srdreg.scid  }
0x2: {  	s0 =	stileid.u32;
	s3 =	rddreg [dreg:$0x1]  }
0x3: {  	s6 =	rddreg [dreg:$0x2];
	s4 =	simm.s32 $0x0;
	s11 =	simm.s32 $0x7  }
0x4: {  	s12 =	simm.s32 $0x2800;
	s13 =	simm.s32 $0x80;
	s14 =	simm.s32 $0x5000  }
0x5: {  	s15 =	simm.s32 $0xD000;
	s16 =	simm.s32 $0x1;
	s17 =	simm.s32 $0x3  }
0x6: {  	s18 =	simm.s32 $0x5;
	s5 =	sand.u32 $0x1, s2;
	s30 =	sshll.u32 s0, $0x1  }
0x7: {  	s19 =	simm.s32 $0x2;
	s20 =	simm.s32 $0x4;
	s22 =	sor.u32 s5, s30  }
0x8: {  	s21 =	simm.s32 $0x9000;
	s2 =	rddreg [dreg:$0x3];
	s7 =	smul.u32 $0x500, s22  }
.Ltmp0:
0x9: {  	[smem:$0x7FF] =	sst s4;
	s31 =	ssub.s32 $0x2, s5;
	(pc) =	sbr.rel .LBB2_1-.Ltmp0, $4  }
0xa: {  	_ =	strace $0x80000047;
	s5 =	sadd.s32 $0x16600, s6;
	s9 =	sshrl.u32 s31, $0x1  }
0xb: {  	s9 =	ssub.s32 s31, s9;
	s8 =	sadd.s32 s7, s6;
	s6 =	smul.u32 $0x50, s22  }
0xc: {  	p0 =	seq.s32 s22, $0x1F;
	s9 =	smax.u32 s9, $0x1;
	s22 =	simm.s32 $0x0  }
0xd: {  	s7 =	sadd.s32 $0xC600, s8;
	s8 =	sadd.s32 $0x2600, s8;
	s10 =	ssub.s32 $0x9C5, s6  }
.LBB2_13:
0xe: {  	s23 =	simm.s32 @!p0 $0x5;
	s22 =	sadd.s32 $0x1, s22  }
0xf: {  	_ =	swait.ge @!p0 [sflag:s23], $0x4000;
	p1 =	sne.s32 s22, s9  }
.Ltmp1:
0x10: {  	[sflag:s23] =	ssyncset.done @!p0 $0x0;
	(pc) =	sbr.rel @!p1 .LBB2_14-.Ltmp1, $4  }
0x11: {  	[sflag:s23] =	ssyncadd.s32 @!p0 $0xFFFFC000;
	s23 =	simm.s32 @!p0 $0x6  }
0x12: {  	_ =	swait.ge @!p0 [sflag:s23], $0x4000  }
0x13: {  	[sflag:s23] =	ssyncset.done @!p0 $0x0  }
0x14: {  	[sflag:s23] =	ssyncadd.s32 @!p0 $0xFFFFC000  }
.LBB2_1:
0x15: {  	[tilespmem:s4], [sflag:$0x7] =	stream.linear.gather [hbm4b:s7+s4], $0x2800, $0x38;
	[tilespmem:$0x15000] =	vst v63  }
0x16: {  	_ =	swait.ge [sflag:s11], $0x2800  }
0x17: {  	[sflag:s11] =	ssyncset.done $0x0  }
0x18: {  	[sflag:s11] =	ssyncadd.s32 $0xFFFFD800  }
0x19: {  	[tilespmem:s12], [sflag:$0x7] =	stream.linear.gather [hbm4b:s8+s4], $0x2800, $0x38;
	[tilespmem:$0x15000] =	vst v63  }
0x1a: {  	_ =	swait.ge [sflag:s11], $0x2800  }
.Ltmp2:
0x1b: {  	[sflag:s11] =	ssyncset.done $0x0;
	(pc) =	sbr.rel .LBB2_2-.Ltmp2, $4  }
0x1c: {  	[sflag:s11] =	ssyncadd.s32 $0xFFFFD800  }
0x1d: {  	[tilespmem:s14], [sflag:$0x1] =	stream.indirect.gather [hbm4b:s1+s13], $0x80, s4, s13, $0xb8;
	[tilespmem:$0x15000] =	vst v63  }
0x1e: {  	s23 =	simm.s32 $0x0  }
0x1f: {  	[tilespmem:s15], [sflag:$0x3] =	stream.indirect.gather [hbm4b:s3+s13], $0x80, s12, s13, $0xb8;
	[tilespmem:$0x15000] =	vst v63  }
.LBB2_11:
0x20: {  	[tilespmem:s25+$0x9000] =	vst v12;
	v5 =	vadd.f32 v5, v10;
	v63 =	vld [tilespmem:s25+$0x9070]  }
0x21: {  	[tilespmem:s25+$0x9010] =	vst v11;
	v4 =	vadd.f32 v4, v9  }
0x22: {  	v3 =	vadd.f32 v3, v8;
	[tilespmem:s25+$0x9020] =	vst v5  }
0x23: {  	v2 =	vadd.f32 v2, v6;
	[tilespmem:s25+$0x9030] =	vst v4  }
0x24: {  	v1 =	vadd.f32 v1, v7;
	[tilespmem:s25+$0x9040] =	vst v3  }
0x25: {  	[tilespmem:s25+$0x9050] =	vst v2;
	v0 =	vadd.f32 v0, v63  }
0x26: {  	s24 =	sshll.u32 s24, $0xB;
	[tilespmem:s25+$0x9060] =	vst v1  }
0x27: {  	s24 =	sadd.s32 s5, s24;
	[tilespmem:s25+$0x9070] =	vst v0  }
0x28: {  	[hbm4b:s24+s4] =	stream.linear.scatter [tilespmem:s21], [sflag:$0x6], $0x4000, $0x38;
	[tilespmem:$0x15000] =	vst v63  }
.LBB2_12:
0x29: {  	s23 =	sadd.s32 $0x1, s23  }
0x2a: {  	p1 =	sne.s32 s23, $0x28  }
.Ltmp3:
0x2b: {  	_ = 	snop;
	(pc) =	sbr.rel @!p1 .LBB2_13-.Ltmp3, $1  }
0x2c: {  	_ =	sdelay $0x3  }
.LBB2_2:
0x2d: {  	s25 =	sshll.u32 s23, $0x1;
	p1 =	seq.s32 s23, $0x0  }
0x2e: {  	p2 =	sge.s32 @!p1 s25, s10  }
0x2f: {  	p1 =	por p2, p1  }
0x30: {  	s26 =	simm.s32 @!p1 $0x6  }
0x31: {  	s28 =	sshllo.u32 s23, $0x1;
	_ =	swait.ge @!p1 [sflag:s26], $0x4000  }
0x32: {  	s24 =	sadd.s32 s6, s28;
	[sflag:s26] =	ssyncset.done @!p1 $0x0  }
0x33: {  	[sflag:s26] =	ssyncadd.s32 @!p1 $0xFFFFC000;
	p1 =	sgt.u32 s24, $0x9C3  }
0x34: {  	s26 =	sshll.u32 @!p1 s28, $0x7;
	s28 =	simm.s32 @!p1 $0x80;
	s29 =	simm.s32 @!p1 $0x9000  }
0x35: {  	[tilespmem:s29], [sflag:$0x2] =	stream.indirect.gather @!p1 [hbm4b:s1+s28], $0x80, s26, s28, $0xb8;
	[tilespmem:$0x15000] =	vst v63  }
0x36: {  	s26 =	sadd.s32 @!p1 $0x2800, s26;
	s29 =	simm.s32 @!p1 $0x11000  }
0x37: {  	[tilespmem:s29], [sflag:$0x4] =	stream.indirect.gather @!p1 [hbm4b:s3+s28], $0x80, s26, s28, $0xb8;
	[tilespmem:$0x15000] =	vst v63  }
0x38: {  	s26 =	sadd.s32 s6, s25  }
0x39: {  	p2 =	sgt.u32 s26, $0x9C3  }
.Ltmp4:
0x3a: {  	_ = 	snop;
	(pc) =	sbr.rel @p2 .LBB2_15-.Ltmp4, $1  }
0x3b: {  	_ =	sdelay $0x3  }
0x3c: {  	_ =	swait.ge [sflag:s16], $0x4000  }
0x3d: {  	[sflag:s16] =	ssyncset.done $0x0  }
0x3e: {  	[sflag:s16] =	ssyncadd.s32 $0xFFFFC000  }
0x3f: {  	_ =	swait.ge [sflag:s17], $0x4000  }
0x40: {  	[sflag:s17] =	ssyncset.done $0x0  }
0x41: {  	s28 =	simm.s32 $0x0;
	[sflag:s17] =	ssyncadd.s32 $0xFFFFC000  }
0x42: {  	v7 =	vld [tilespmem:s28+$0xD000]  }
0x43: {  	v11 =	vld [tilespmem:s28+$0xD010]  }
0x44: {  	v5 =	vld [tilespmem:s28+$0xD020]  }
0x45: {  	v4 =	vld [tilespmem:s28+$0xD030]  }
0x46: {  	v3 =	vld [tilespmem:s28+$0xD040]  }
0x47: {  	v2 =	vld [tilespmem:s28+$0xD050]  }
0x48: {  	v1 =	vld [tilespmem:s28+$0xD060]  }
0x49: {  	v0 =	vld [tilespmem:s28+$0xD070]  }
0x4a: {  	v12 =	vld [tilespmem:s28+$0x5000]  }
0x4b: {  	v13 =	vld [tilespmem:s28+$0x5010]  }
0x4c: {  	v10 =	vld [tilespmem:s28+$0x5020]  }
0x4d: {  	v9 =	vld [tilespmem:s28+$0x5030]  }
0x4e: {  	v8 =	vld [tilespmem:s28+$0x5040]  }
0x4f: {  	v6 =	vld [tilespmem:s28+$0x5050];
	v12 =	vadd.f32 v7, v12  }
0x50: {  	s29 =	simm.s32 $0x200;
	v11 =	vadd.f32 v11, v13;
	v7 =	vld [tilespmem:s28+$0x5060]  }
.LBB2_4:
0x51: {  	s30 =	sshra.s32 s29, $0x2;
	p2 =	sne.s32 s29, $0xFE00;
	[tilespmem:s28+$0x5000] =	vst v12;
	v5 =	vadd.f32 v5, v10;
	v10 =	vld [tilespmem:s28+$0x5070]  }
0x52: {  	v12 =	vld [tilespmem:s30+$0xD000];
	[tilespmem:s28+$0x5010] =	vst v11;
	v4 =	vadd.f32 v4, v9  }
0x53: {  	v11 =	vld [tilespmem:s30+$0xD010];
	[tilespmem:s28+$0x5020] =	vst v5;
	v3 =	vadd.f32 v3, v8  }
0x54: {  	v5 =	vld [tilespmem:s30+$0xD020];
	[tilespmem:s28+$0x5030] =	vst v4;
	v2 =	vadd.f32 v2, v6  }
0x55: {  	v4 =	vld [tilespmem:s30+$0xD030];
	[tilespmem:s28+$0x5040] =	vst v3;
	v1 =	vadd.f32 v1, v7  }
0x56: {  	v3 =	vld [tilespmem:s30+$0xD040];
	[tilespmem:s28+$0x5050] =	vst v2;
	v0 =	vadd.f32 v0, v10  }
0x57: {  	v2 =	vld [tilespmem:s30+$0xD050];
	[tilespmem:s28+$0x5060] =	vst v1  }
0x58: {  	v1 =	vld [tilespmem:s30+$0xD060];
	[tilespmem:s28+$0x5070] =	vst v0;
	s28 =	smov.u32 s30  }
0x59: {  	v0 =	vld [tilespmem:s28+$0xD070]  }
0x5a: {  	v6 =	vld [tilespmem:s28+$0x5000]  }
0x5b: {  	v7 =	vld [tilespmem:s28+$0x5010]  }
.Ltmp5:
0x5c: {  	v10 =	vld [tilespmem:s28+$0x5020];
	(pc) =	sbr.rel @p2 .LBB2_4-.Ltmp5, $4  }
0x5d: {  	v9 =	vld [tilespmem:s28+$0x5030]  }
0x5e: {  	v8 =	vld [tilespmem:s28+$0x5040]  }
0x5f: {  	v12 =	vadd.f32 v12, v6;
	v6 =	vld [tilespmem:s28+$0x5050]  }
0x60: {  	s29 =	sadd.s32 $0x200, s29;
	v11 =	vadd.f32 v11, v7;
	v7 =	vld [tilespmem:s28+$0x5060]  }
0x61: {  	[tilespmem:s28+$0x5000] =	vst v12;
	v5 =	vadd.f32 v5, v10;
	v63 =	vld [tilespmem:s28+$0x5070]  }
0x62: {  	[tilespmem:s28+$0x5010] =	vst v11;
	v4 =	vadd.f32 v4, v9  }
0x63: {  	[tilespmem:s28+$0x5020] =	vst v5;
	v3 =	vadd.f32 v3, v8  }
0x64: {  	p2 =	seq.s32 s23, $0x27;
	[tilespmem:s28+$0x5030] =	vst v4;
	v2 =	vadd.f32 v2, v6  }
.Ltmp6:
0x65: {  	[tilespmem:s28+$0x5040] =	vst v3;
	v1 =	vadd.f32 v1, v7;
	(pc) =	sbr.rel @p2 .LBB2_8-.Ltmp6, $4  }
0x66: {  	[tilespmem:s28+$0x5050] =	vst v2;
	v0 =	vadd.f32 v0, v63  }
0x67: {  	s26 =	sshll.u32 s26, $0xB;
	[tilespmem:s28+$0x5060] =	vst v1  }
0x68: {  	s26 =	sadd.s32 s5, s26;
	[tilespmem:s28+$0x5070] =	vst v0  }
0x69: {  	[hbm4b:s26+s4] =	stream.linear.scatter [tilespmem:s14], [sflag:$0x5], $0x4000, $0x38;
	[tilespmem:$0x15000] =	vst v63  }
.Ltmp7:
0x6a: {  	(pc) =	sbr.rel .LBB2_7-.Ltmp7, $4  }
0x6b: {  	_ = 	snop  }
0x6c: {  	_ =	swait.ge [sflag:s18], $0x4000  }
0x6d: {  	[sflag:s18] =	ssyncset.done $0x0  }
0x6e: {  	[sflag:s18] =	ssyncadd.s32 $0xFFFFC000  }
.LBB2_15:
0x6f: {  	p2 =	seq.s32 s23, $0x27  }
.Ltmp8:
0x70: {  	_ = 	snop;
	(pc) =	sbr.rel @p2 .LBB2_8-.Ltmp8, $1  }
0x71: {  	_ =	sdelay $0x3  }
.LBB2_7:
0x72: {  	s25 =	sadd.s32 $0x2, s25  }
0x73: {  	s26 =	sadd.s32 s6, s25  }
0x74: {  	p2 =	sgt.u32 s26, $0x9C3  }
0x75: {  	s25 =	sshll.u32 @!p2 s25, $0x7;
	s26 =	simm.s32 @!p2 $0x80;
	s28 =	simm.s32 @!p2 $0x5000  }
0x76: {  	[tilespmem:s28], [sflag:$0x1] =	stream.indirect.gather @!p2 [hbm4b:s1+s26], $0x80, s25, s26, $0xb8;
	[tilespmem:$0x15000] =	vst v63  }
0x77: {  	s25 =	sadd.s32 @!p2 $0x2800, s25;
	s28 =	simm.s32 @!p2 $0xD000  }
0x78: {  	[tilespmem:s28], [sflag:$0x3] =	stream.indirect.gather @!p2 [hbm4b:s3+s26], $0x80, s25, s26, $0xb8;
	[tilespmem:$0x15000] =	vst v63  }
.LBB2_8:
.Ltmp9:
0x79: {  	(pc) =	sbr.rel @p1 .LBB2_12-.Ltmp9, $1  }
0x7a: {  	_ =	sdelay $0x3  }
0x7b: {  	_ =	swait.ge [sflag:s19], $0x4000  }
0x7c: {  	[sflag:s19] =	ssyncset.done $0x0  }
0x7d: {  	[sflag:s19] =	ssyncadd.s32 $0xFFFFC000  }
0x7e: {  	_ =	swait.ge [sflag:s20], $0x4000  }
0x7f: {  	[sflag:s20] =	ssyncset.done $0x0  }
0x80: {  	s25 =	simm.s32 $0x0;
	[sflag:s20] =	ssyncadd.s32 $0xFFFFC000  }
0x81: {  	v7 =	vld [tilespmem:s25+$0x11000]  }
0x82: {  	v11 =	vld [tilespmem:s25+$0x11010]  }
0x83: {  	v5 =	vld [tilespmem:s25+$0x11020]  }
0x84: {  	v4 =	vld [tilespmem:s25+$0x11030]  }
0x85: {  	v3 =	vld [tilespmem:s25+$0x11040]  }
0x86: {  	v2 =	vld [tilespmem:s25+$0x11050]  }
0x87: {  	v1 =	vld [tilespmem:s25+$0x11060]  }
0x88: {  	v0 =	vld [tilespmem:s25+$0x11070]  }
0x89: {  	v12 =	vld [tilespmem:s25+$0x9000]  }
0x8a: {  	v13 =	vld [tilespmem:s25+$0x9010]  }
0x8b: {  	v10 =	vld [tilespmem:s25+$0x9020]  }
0x8c: {  	v9 =	vld [tilespmem:s25+$0x9030]  }
0x8d: {  	v8 =	vld [tilespmem:s25+$0x9040]  }
0x8e: {  	v6 =	vld [tilespmem:s25+$0x9050];
	v12 =	vadd.f32 v7, v12  }
0x8f: {  	s26 =	simm.s32 $0x200;
	v11 =	vadd.f32 v11, v13;
	v7 =	vld [tilespmem:s25+$0x9060]  }
.LBB2_10:
0x90: {  	s28 =	sshra.s32 s26, $0x2;
	p1 =	sne.s32 s26, $0xFE00;
	[tilespmem:s25+$0x9000] =	vst v12;
	v5 =	vadd.f32 v5, v10;
	v10 =	vld [tilespmem:s25+$0x9070]  }
0x91: {  	v4 =	vadd.f32 v4, v9;
	v12 =	vld [tilespmem:s28+$0x11000];
	[tilespmem:s25+$0x9010] =	vst v11  }
0x92: {  	v3 =	vadd.f32 v3, v8;
	v11 =	vld [tilespmem:s28+$0x11010];
	[tilespmem:s25+$0x9020] =	vst v5  }
0x93: {  	v2 =	vadd.f32 v2, v6;
	v5 =	vld [tilespmem:s28+$0x11020];
	[tilespmem:s25+$0x9030] =	vst v4  }
0x94: {  	v1 =	vadd.f32 v1, v7;
	v4 =	vld [tilespmem:s28+$0x11030];
	[tilespmem:s25+$0x9040] =	vst v3  }
0x95: {  	v3 =	vld [tilespmem:s28+$0x11040];
	[tilespmem:s25+$0x9050] =	vst v2;
	v0 =	vadd.f32 v0, v10  }
0x96: {  	v2 =	vld [tilespmem:s28+$0x11050];
	[tilespmem:s25+$0x9060] =	vst v1  }
0x97: {  	v1 =	vld [tilespmem:s28+$0x11060];
	[tilespmem:s25+$0x9070] =	vst v0;
	s25 =	smov.u32 s28  }
0x98: {  	v0 =	vld [tilespmem:s25+$0x11070]  }
0x99: {  	v6 =	vld [tilespmem:s25+$0x9000]  }
0x9a: {  	v7 =	vld [tilespmem:s25+$0x9010]  }
.Ltmp10:
0x9b: {  	v10 =	vld [tilespmem:s25+$0x9020];
	(pc) =	sbr.rel @p1 .LBB2_10-.Ltmp10, $4  }
0x9c: {  	v9 =	vld [tilespmem:s25+$0x9030]  }
0x9d: {  	v8 =	vld [tilespmem:s25+$0x9040]  }
0x9e: {  	v12 =	vadd.f32 v12, v6;
	v6 =	vld [tilespmem:s25+$0x9050]  }
0x9f: {  	s26 =	sadd.s32 $0x200, s26;
	v11 =	vadd.f32 v11, v7;
	v7 =	vld [tilespmem:s25+$0x9060]  }
.Ltmp11:
0xa0: {  	_ = 	snop;
	(pc) =	sbr.rel .LBB2_11-.Ltmp11, $1  }
0xa1: {  	_ =	sdelay $0x3  }
.LBB2_14:
0xa2: {  	_ =	sfence.sel $0x180000  }
0xa3: {  	[bflag:$0x0] =	sbarrier.arrive $0xFFFF  }
0xa4: {  	p0 =	sne.s32 s0, $0x0;
	_ =	strace $0x90000047  }
0xa5: {  	s0 =	sadd.s32 @!p0 $0x100000, s2;
	[bflag:$0x2] =	sbarrier.arrive $0xFFFF  }
0xa6: {  	[sflag:s0] =	ssyncadd.tile.s32 @!p0 $0x1;
	_ =	shalt  }
.Lfunc_end2:
_tile_overlayer_lowered:
.L_overlay_start_2:
0xa7: {  	(tag) =	ssettag $0x2  }
0xa8: {  	s0 =	rddreg [dreg:$0x0];
	s2 =	stileid.u32  }
0xa9: {  	s1 =	rddreg [dreg:$0x1];
	p0 =	sne.s32 s2, $0x0  }
0xaa: {  	s3 =	rddreg [dreg:$0x2];
	[bflag:$0x3] =	sbarrier.arrive $0xFFFF;
	s2 =	simm.s32 @!p0 $0x1C07  }
0xab: {  	[timem:s3], [sflag:s2] =	dma.local @!p0 [hbm:s0], s1  }
0xac: {  	s0 =	simm.s32 @!p0 $0x7  }
0xad: {  	_ =	swait.ge @!p0 [sflag:s0], s1  }
0xae: {  	s1 =	ssub.s32 @!p0 $0x0, s1;
	[sflag:s0] =	ssyncset.done @!p0 $0x0  }
0xaf: {  	[sflag:s0] =	ssyncadd.s32 @!p0 s1  }
0xb0: {  	[bflag:$0x3] =	sbarrier.arrive $0xFFFF  }
0xb1: {  	_ =	shalt  }

</sc_bundles>
